<compile_context>
chip_gen: v7x
topology: tpu7x:2x2x1
jax: 0.10.2.dev20260603
libtpu: 0.0.44.dev20260713+nightly
codegen_flags: <defaults>
</compile_context>

<pallas_src>
import functools

import jax
import jax.numpy as jnp
from jax import lax
from jax.experimental import pallas as pl
from jax.experimental.pallas import tpu as pltpu
from jax.experimental.pallas import tpu_sc as plsc

N = 10000
D = 128
DW = D // 2
E = 320000
NC, NS, L = 2, 16, 16
C = 125
EPT = E // NS
NCH = EPT // C
RPT = N // NS
ZR = 125
NBUF = 5
NGRP = NCH // NBUF


def _sc_segment_sum(xa, xb, er):
    mesh = plsc.VectorSubcoreMesh(core_axis_name="c", subcore_axis_name="s")

    @functools.partial(
        pl.kernel,
        out_type=jax.ShapeDtypeStruct((NC, N, DW), jnp.float32),
        mesh=mesh,
        scratch_types=[
            pltpu.VMEM((NCH, C), jnp.int32),
            pltpu.VMEM((NCH, C), jnp.int32),
            pltpu.VMEM((NBUF, C, DW), jnp.float32),
            pltpu.VMEM((ZR, DW), jnp.float32),
            pltpu.VMEM_SHARED((N, DW), jnp.float32),
            pltpu.SemaphoreType.DMA((NBUF,)),
            pltpu.SemaphoreType.DMA((NBUF,)),
            pltpu.SemaphoreType.DMA,
        ],
        compiler_params=pltpu.CompilerParams(use_tc_tiling_on_sc=False),
    )
    def seg_kernel(xa_hbm, xb_hbm, er_hbm, out_hbm,
                   src_v, dst_v, gbuf, zbuf, acc_sh, gsem, ssem, zsem):
        cid = lax.axis_index("c")
        sid = lax.axis_index("s")

        cp_src = pltpu.async_copy(er_hbm.at[0, sid], src_v, gsem.at[0])
        cp_dst = pltpu.async_copy(er_hbm.at[1, sid], dst_v, gsem.at[1])

        zv = jnp.zeros((L,), jnp.float32)

        @pl.loop(0, ZR)
        def _(r):
            @pl.loop(0, DW, step=L)
            def _(cc):
                zbuf[r, pl.ds(cc, L)] = zv

        base = sid * RPT

        @pl.loop(0, RPT, step=ZR)
        def _(o):
            pltpu.async_copy(zbuf, acc_sh.at[pl.ds(base + o, ZR)], zsem)

        @pl.loop(0, RPT, step=ZR)
        def _(o):
            pltpu.make_async_copy(zbuf, acc_sh.at[pl.ds(base, ZR)], zsem).wait()

        cp_src.wait()
        cp_dst.wait()
        plsc.subcore_barrier()

        def ring(xcol):
            for bb in range(NBUF):
                pltpu.async_copy(xcol.at[src_v.at[bb]], gbuf.at[bb],
                                 gsem.at[bb])

            @pl.loop(0, NGRP)
            def _(g):
                c0 = g * NBUF
                for bb in range(NBUF):
                    c = c0 + bb
                    pltpu.make_async_copy(xcol.at[src_v.at[c]], gbuf.at[bb],
                                          gsem.at[bb]).wait()
                    pltpu.async_copy(gbuf.at[bb], acc_sh.at[dst_v.at[c]],
                                     ssem.at[bb], add=True)
                for bb in range(NBUF):
                    c = c0 + bb
                    pltpu.make_async_copy(gbuf.at[bb], acc_sh.at[dst_v.at[c]],
                                          ssem.at[bb]).wait()

                    @pl.when(c + NBUF < NCH)
                    def _():
                        pltpu.async_copy(xcol.at[src_v.at[c + NBUF]],
                                         gbuf.at[bb], gsem.at[bb])

        @pl.when(cid == 0)
        def _():
            ring(xa_hbm)

        @pl.when(cid == 1)
        def _():
            ring(xb_hbm)

        plsc.subcore_barrier()

        pltpu.sync_copy(acc_sh.at[pl.ds(base, RPT)],
                        out_hbm.at[cid, pl.ds(base, RPT)])

    return seg_kernel(xa, xb, er)


def _tc_self(x, W_self, b2):
    R = 1000
    G = N // R

    def self_kernel(x_ref, ws_ref, b_ref, o_ref):
        o_ref[...] = jnp.dot(x_ref[...], ws_ref[...],
                             preferred_element_type=jnp.float32) + b_ref[...]

    return pl.pallas_call(
        self_kernel,
        grid=(G,),
        in_specs=[
            pl.BlockSpec((R, D), lambda i: (i, 0)),
            pl.BlockSpec((D, D), lambda i: (0, 0)),
            pl.BlockSpec((1, D), lambda i: (0, 0)),
        ],
        out_specs=pl.BlockSpec((R, D), lambda i: (i, 0)),
        out_shape=jax.ShapeDtypeStruct((N, D), jnp.float32),
    )(x, W_self, b2)


def _tc_head(ha, parts, W_nbr, w2):
    R = 1000
    G = N // R

    def head_kernel(ha_ref, p_ref, wn_ref, w_ref, o_ref):
        agg = jnp.concatenate([p_ref[0], p_ref[1]], axis=-1)
        h = ha_ref[...] + jnp.dot(agg, wn_ref[...],
                                  preferred_element_type=jnp.float32)
        h = jnp.maximum(h, 0.0)
        o_ref[...] = jnp.sum(h * w_ref[...], axis=1, keepdims=True)

    return pl.pallas_call(
        head_kernel,
        grid=(G,),
        in_specs=[
            pl.BlockSpec((R, D), lambda i: (i, 0)),
            pl.BlockSpec((NC, R, DW), lambda i: (0, i, 0)),
            pl.BlockSpec((D, D), lambda i: (0, 0)),
            pl.BlockSpec((1, D), lambda i: (0, 0)),
        ],
        out_specs=pl.BlockSpec((R, 1), lambda i: (i, 0)),
        out_shape=jax.ShapeDtypeStruct((N, 1), jnp.float32),
    )(ha, parts, W_nbr, w2)


@jax.jit
def kernel(x, edge_index, W_self, W_nbr, b, w_out):
    er = edge_index.reshape(2, NS, NCH, C)
    parts = _sc_segment_sum(x[:, :DW], x[:, DW:], er)
    ha = _tc_self(x, W_self, b.reshape(1, D))
    out = _tc_head(ha, parts, W_nbr, w_out.reshape(1, D))
    return out[:, 0]

# --- scband reference (transcript-rebuilt; emitter-appended) ---
"""Pipeline reference for scband-actor-gnn-16784732192966 (READ-ONLY COPY).

The authoritative reference and input builder live on the scoring server;
editing this copy changes nothing except your own understanding.
"""

import jax, jax.numpy as jnp
import numpy as np

N_NODES = 10000
N_EDGES = 320000
D_FEAT = 128


def setup_inputs(seed: int = 0) -> dict:
    key = jax.random.key(seed)
    k1, k2, k3, k4, k5, k6 = jax.random.split(key, 6)
    x = jax.random.normal(k1, (N_NODES, D_FEAT), dtype=jnp.float32)
    edge_index = jax.random.randint(k2, (2, N_EDGES), 0, N_NODES, dtype=jnp.int32)
    W_self = jax.random.normal(k3, (D_FEAT, D_FEAT), dtype=jnp.float32) * (1.0 / np.sqrt(D_FEAT))
    W_nbr = jax.random.normal(k4, (D_FEAT, D_FEAT), dtype=jnp.float32) * (1.0 / np.sqrt(D_FEAT))
    b = jax.random.normal(k5, (D_FEAT,), dtype=jnp.float32) * 0.01
    w_out = jax.random.normal(k6, (D_FEAT,), dtype=jnp.float32) * (1.0 / np.sqrt(D_FEAT))
    return {"x": x, "edge_index": edge_index, "W_self": W_self, "W_nbr": W_nbr, "b": b, "w_out": w_out}


def reference(x, edge_index, W_self, W_nbr, b, w_out):
    # ActorGNN: one message-passing layer (gather on src, scatter-add on dst)
    # followed by an actor head producing one logit per node (action scores over MERs/placements).
    src = edge_index[0]
    dst = edge_index[1]
    msgs = jnp.take(x, src, axis=0) @ W_nbr            # gather + transform per-edge
    agg = jax.ops.segment_sum(msgs, dst, num_segments=x.shape[0])  # scatter-add to dst nodes
    h = jax.nn.relu(x @ W_self + agg + b)
    logits = h @ w_out                                  # per-node actor logit
    return logits

if __name__ == "__main__":
    import jax
    _d = setup_inputs()
    print(jax.jit(kernel)(*tuple(_d.values())))

</pallas_src>

<mosaic_0001>
#map = affine_map<(d0, d1) -> (0, 0)>
#map1 = affine_map<(d0, d1) -> (0, 0, 0, 0)>
#map2 = affine_map<(d0, d1) -> (0, 0, 0)>
module attributes {stable_mosaic.version = 14 : i64} {
  func.func @seg_kernel(%arg0: i32, %arg1: i32, %arg2: memref<10000x64xf32, #tpu.memory_space<hbm>>, %arg3: memref<10000x64xf32, #tpu.memory_space<hbm>>, %arg4: memref<2x16x160x125xi32, #tpu.memory_space<hbm>>, %arg5: memref<2x10000x64xf32, #tpu.memory_space<hbm>>, %arg6: memref<160x125xi32, #tpu.memory_space<vmem>>, %arg7: memref<160x125xi32, #tpu.memory_space<vmem>>, %arg8: memref<5x125x64xf32, #tpu.memory_space<vmem>>, %arg9: memref<125x64xf32, #tpu.memory_space<vmem>>, %arg10: memref<10000x64xf32, #tpu.memory_space<vmem_shared>>, %arg11: memref<5x!tpu.dma_semaphore, #tpu.memory_space<semaphore_mem>>, %arg12: memref<5x!tpu.dma_semaphore, #tpu.memory_space<semaphore_mem>>, %arg13: memref<!tpu.dma_semaphore, #tpu.memory_space<semaphore_mem>>) attributes {dimension_semantics = [#tpu.dimension_semantics<core_parallel>, #tpu.dimension_semantics<subcore_parallel>], iteration_bounds = array<i64: 2, 16>, scalar_prefetch = 0 : i64, scratch_operands = 8 : i64, tpu.core_type = #tpu.core_type<sc_vector_subcore>, window_params = [{transform_indices = #map}, {transform_indices = #map}, {transform_indices = #map1}, {transform_indices = #map2}]} {
    %dma_start3A = arith.constant 0 : i32
    %dma_start3A_0 = arith.constant 0 : i32
    %dma_start3A_1 = arith.constant 0 : i32
    %dma_start3A_2 = arith.constant 0 : i32
    %dma_start3A_3 = tpu.memref_slice %arg4[%dma_start3A, %arg1, %dma_start3A_1, %dma_start3A_2] : memref<2x16x160x125xi32, #tpu.memory_space<hbm>> -> memref<1x1x160x125xi32, #tpu.memory_space<hbm>>
    %dma_start3A_4 = tpu.memref_squeeze %dma_start3A_3 : memref<1x1x160x125xi32, #tpu.memory_space<hbm>> -> memref<160x125xi32, #tpu.memory_space<hbm>>
    %dma_start3A_5 = tpu.memref_slice %arg11[%dma_start3A_0] : memref<5x!tpu.dma_semaphore, #tpu.memory_space<semaphore_mem>> -> memref<1x!tpu.dma_semaphore, #tpu.memory_space<semaphore_mem>>
    %dma_start3A_6 = tpu.memref_squeeze %dma_start3A_5 : memref<1x!tpu.dma_semaphore, #tpu.memory_space<semaphore_mem>> -> memref<!tpu.dma_semaphore, #tpu.memory_space<semaphore_mem>>
    %dma_start3A_7 = arith.constant 0 : i32
    %dma_start3A_8 = arith.constant 0 : i32
    %dma_start3A_9 = tpu.memref_slice %arg4[%dma_start3A, %arg1, %dma_start3A_7, %dma_start3A_8] : memref<2x16x160x125xi32, #tpu.memory_space<hbm>> -> memref<1x1x160x125xi32, #tpu.memory_space<hbm>>
    %dma_start3A_10 = tpu.memref_squeeze %dma_start3A_9 : memref<1x1x160x125xi32, #tpu.memory_space<hbm>> -> memref<160x125xi32, #tpu.memory_space<hbm>>
    tpu.enqueue_dma source(%dma_start3A_10 : memref<160x125xi32, #tpu.memory_space<hbm>>) target(%arg6 : memref<160x125xi32, #tpu.memory_space<vmem>>) target_semaphore(%dma_start3A_6 : memref<!tpu.dma_semaphore, #tpu.memory_space<semaphore_mem>>)
    %dma_start3A_11 = arith.constant 1 : i32
    %dma_start3A_12 = arith.constant 1 : i32
    %dma_start3A_13 = arith.constant 0 : i32
    %dma_start3A_14 = arith.constant 0 : i32
    %dma_start3A_15 = tpu.memref_slice %arg4[%dma_start3A_11, %arg1, %dma_start3A_13, %dma_start3A_14] : memref<2x16x160x125xi32, #tpu.memory_space<hbm>> -> memref<1x1x160x125xi32, #tpu.memory_space<hbm>>
    %dma_start3A_16 = tpu.memref_squeeze %dma_start3A_15 : memref<1x1x160x125xi32, #tpu.memory_space<hbm>> -> memref<160x125xi32, #tpu.memory_space<hbm>>
    %dma_start3A_17 = tpu.memref_slice %arg11[%dma_start3A_12] : memref<5x!tpu.dma_semaphore, #tpu.memory_space<semaphore_mem>> -> memref<1x!tpu.dma_semaphore, #tpu.memory_space<semaphore_mem>>
    %dma_start3A_18 = tpu.memref_squeeze %dma_start3A_17 : memref<1x!tpu.dma_semaphore, #tpu.memory_space<semaphore_mem>> -> memref<!tpu.dma_semaphore, #tpu.memory_space<semaphore_mem>>
    %dma_start3A_19 = arith.constant 0 : i32
    %dma_start3A_20 = arith.constant 0 : i32
    %dma_start3A_21 = tpu.memref_slice %arg4[%dma_start3A_11, %arg1, %dma_start3A_19, %dma_start3A_20] : memref<2x16x160x125xi32, #tpu.memory_space<hbm>> -> memref<1x1x160x125xi32, #tpu.memory_space<hbm>>
    %dma_start3A_22 = tpu.memref_squeeze %dma_start3A_21 : memref<1x1x160x125xi32, #tpu.memory_space<hbm>> -> memref<160x125xi32, #tpu.memory_space<hbm>>
    tpu.enqueue_dma source(%dma_start3A_22 : memref<160x125xi32, #tpu.memory_space<hbm>>) target(%arg7 : memref<160x125xi32, #tpu.memory_space<vmem>>) target_semaphore(%dma_start3A_18 : memref<!tpu.dma_semaphore, #tpu.memory_space<semaphore_mem>>)
    %broadcast_in_dim3A = arith.constant 0.000000e+00 : f32
    %broadcast_in_dim3A_23 = vector.broadcast %broadcast_in_dim3A : f32 to vector<16xf32>
    %scan3A = arith.constant 0 : i32
    %scan3A_24 = arith.constant 125 : i32
    %scan3A_25 = arith.addi %scan3A, %scan3A_24 : i32
    %scan3A_26 = arith.constant 1 : i32
    scf.for %scan3A_70 = %scan3A to %scan3A_25 step %scan3A_26  : i32 {
      %mul3A_71 = arith.constant 1 : i32
      %mul3A_72 = arith.muli %scan3A_70, %mul3A_71 : i32
      %add3A = arith.constant 0 : i32
      %add3A_73 = arith.addi %add3A, %mul3A_72 : i32
      %scan3A_74 = arith.constant 0 : i32
      %scan3A_75 = arith.constant 4 : i32
      %scan3A_76 = arith.addi %scan3A_74, %scan3A_75 : i32
      %scan3A_77 = arith.constant 1 : i32
      scf.for %scan3A_79 = %scan3A_74 to %scan3A_76 step %scan3A_77  : i32 {
        %mul3A_80 = arith.constant 16 : i32
        %mul3A_81 = arith.muli %scan3A_79, %mul3A_80 : i32
        %add3A_82 = arith.constant 0 : i32
        %add3A_83 = arith.addi %add3A_82, %mul3A_81 : i32
        %swap3A = arith.index_cast %add3A_73 : i32 to index
        %swap3A_84 = arith.index_cast %add3A_83 : i32 to index
        %swap3A_85 = tpu.vector_load %arg9[%swap3A, %swap3A_84] {strides = array<i32>} : memref<125x64xf32, #tpu.memory_space<vmem>>, vector<1x16xf32>,
        %swap3A_86 = vector.shape_cast %swap3A_85 : vector<1x16xf32> to vector<16xf32>
        %swap3A_87 = vector.shape_cast %broadcast_in_dim3A_23 : vector<16xf32> to vector<1x16xf32>
        tpu.vector_store %arg9[%swap3A, %swap3A_84], %swap3A_87 {strides = array<i32>} : memref<125x64xf32, #tpu.memory_space<vmem>>, vector<1x16xf32>,
      }
      %scan3A_78 = arith.constant 4 : i32
    }
    %scan3A_27 = arith.constant 125 : i32
    %mul3A = arith.constant 625 : i32
    %mul3A_28 = arith.muli %arg1, %mul3A : i32
    %scan3A_29 = arith.constant 0 : i32
    %scan3A_30 = arith.constant 5 : i32
    %scan3A_31 = arith.addi %scan3A_29, %scan3A_30 : i32
    %scan3A_32 = arith.constant 1 : i32
    scf.for %scan3A_70 = %scan3A_29 to %scan3A_31 step %scan3A_32  : i32 {
      %mul3A_71 = arith.constant 125 : i32
      %mul3A_72 = arith.muli %scan3A_70, %mul3A_71 : i32
      %add3A = arith.constant 0 : i32
      %add3A_73 = arith.addi %add3A, %mul3A_72 : i32
      %add3A_74 = arith.addi %mul3A_28, %add3A_73 : i32
      %dma_start3A_75 = arith.constant 0 : i32
      %dma_start3A_76 = tpu.memref_slice %arg10[%add3A_74, %dma_start3A_75] : memref<10000x64xf32, #tpu.memory_space<vmem_shared>> -> memref<125x64xf32, #tpu.memory_space<vmem_shared>>
      %dma_start3A_77 = arith.constant 0 : i32
      %dma_start3A_78 = tpu.memref_slice %arg10[%add3A_74, %dma_start3A_77] : memref<10000x64xf32, #tpu.memory_space<vmem_shared>> -> memref<125x64xf32, #tpu.memory_space<vmem_shared>>
      tpu.enqueue_dma source(%arg9 : memref<125x64xf32, #tpu.memory_space<vmem>>) target(%dma_start3A_78 : memref<125x64xf32, #tpu.memory_space<vmem_shared>>) target_semaphore(%arg13 : memref<!tpu.dma_semaphore, #tpu.memory_space<semaphore_mem>>)
    }
    %scan3A_33 = arith.constant 5 : i32
    %scan3A_34 = arith.constant 0 : i32
    %scan3A_35 = arith.constant 5 : i32
    %scan3A_36 = arith.addi %scan3A_34, %scan3A_35 : i32
    %scan3A_37 = arith.constant 1 : i32
    scf.for %scan3A_70 = %scan3A_34 to %scan3A_36 step %scan3A_37  : i32 {
      %mul3A_71 = arith.constant 125 : i32
      %mul3A_72 = arith.muli %scan3A_70, %mul3A_71 : i32
      %add3A = arith.constant 0 : i32
      %add3A_73 = arith.addi %add3A, %mul3A_72 : i32
      %dma_wait3A_74 = arith.constant 0 : i32
      %dma_wait3A_75 = tpu.memref_slice %arg10[%mul3A_28, %dma_wait3A_74] : memref<10000x64xf32, #tpu.memory_space<vmem_shared>> -> memref<125x64xf32, #tpu.memory_space<vmem_shared>>
      %dma_wait3A_76 = arith.constant 0 : i32
      %dma_wait3A_77 = tpu.memref_slice %arg10[%mul3A_28, %dma_wait3A_76] : memref<10000x64xf32, #tpu.memory_space<vmem_shared>> -> memref<125x64xf32, #tpu.memory_space<vmem_shared>>
      tpu.wait_dma2 semaphore(%arg13 : memref<!tpu.dma_semaphore, #tpu.memory_space<semaphore_mem>>) src(%arg9 : memref<125x64xf32, #tpu.memory_space<vmem>>) dst(%dma_wait3A_77 : memref<125x64xf32, #tpu.memory_space<vmem_shared>>)
    }
    %scan3A_38 = arith.constant 5 : i32
    %dma_wait3A = arith.constant 0 : i32
    %dma_wait3A_39 = arith.constant 0 : i32
    %dma_wait3A_40 = arith.constant 0 : i32
    %dma_wait3A_41 = arith.constant 0 : i32
    %dma_wait3A_42 = tpu.memref_slice %arg4[%dma_wait3A, %arg1, %dma_wait3A_40, %dma_wait3A_41] : memref<2x16x160x125xi32, #tpu.memory_space<hbm>> -> memref<1x1x160x125xi32, #tpu.memory_space<hbm>>
    %dma_wait3A_43 = tpu.memref_squeeze %dma_wait3A_42 : memref<1x1x160x125xi32, #tpu.memory_space<hbm>> -> memref<160x125xi32, #tpu.memory_space<hbm>>
    %dma_wait3A_44 = tpu.memref_slice %arg11[%dma_wait3A_39] : memref<5x!tpu.dma_semaphore, #tpu.memory_space<semaphore_mem>> -> memref<1x!tpu.dma_semaphore, #tpu.memory_space<semaphore_mem>>
    %dma_wait3A_45 = tpu.memref_squeeze %dma_wait3A_44 : memref<1x!tpu.dma_semaphore, #tpu.memory_space<semaphore_mem>> -> memref<!tpu.dma_semaphore, #tpu.memory_space<semaphore_mem>>
    %dma_wait3A_46 = arith.constant 0 : i32
    %dma_wait3A_47 = arith.constant 0 : i32
    %dma_wait3A_48 = tpu.memref_slice %arg4[%dma_wait3A, %arg1, %dma_wait3A_46, %dma_wait3A_47] : memref<2x16x160x125xi32, #tpu.memory_space<hbm>> -> memref<1x1x160x125xi32, #tpu.memory_space<hbm>>
    %dma_wait3A_49 = tpu.memref_squeeze %dma_wait3A_48 : memref<1x1x160x125xi32, #tpu.memory_space<hbm>> -> memref<160x125xi32, #tpu.memory_space<hbm>>
    tpu.wait_dma2 semaphore(%dma_wait3A_45 : memref<!tpu.dma_semaphore, #tpu.memory_space<semaphore_mem>>) src(%dma_wait3A_49 : memref<160x125xi32, #tpu.memory_space<hbm>>) dst(%arg6 : memref<160x125xi32, #tpu.memory_space<vmem>>)
    %dma_wait3A_50 = arith.constant 1 : i32
    %dma_wait3A_51 = arith.constant 1 : i32
    %dma_wait3A_52 = arith.constant 0 : i32
    %dma_wait3A_53 = arith.constant 0 : i32
    %dma_wait3A_54 = tpu.memref_slice %arg4[%dma_wait3A_50, %arg1, %dma_wait3A_52, %dma_wait3A_53] : memref<2x16x160x125xi32, #tpu.memory_space<hbm>> -> memref<1x1x160x125xi32, #tpu.memory_space<hbm>>
    %dma_wait3A_55 = tpu.memref_squeeze %dma_wait3A_54 : memref<1x1x160x125xi32, #tpu.memory_space<hbm>> -> memref<160x125xi32, #tpu.memory_space<hbm>>
    %dma_wait3A_56 = tpu.memref_slice %arg11[%dma_wait3A_51] : memref<5x!tpu.dma_semaphore, #tpu.memory_space<semaphore_mem>> -> memref<1x!tpu.dma_semaphore, #tpu.memory_space<semaphore_mem>>
    %dma_wait3A_57 = tpu.memref_squeeze %dma_wait3A_56 : memref<1x!tpu.dma_semaphore, #tpu.memory_space<semaphore_mem>> -> memref<!tpu.dma_semaphore, #tpu.memory_space<semaphore_mem>>
    %dma_wait3A_58 = arith.constant 0 : i32
    %dma_wait3A_59 = arith.constant 0 : i32
    %dma_wait3A_60 = tpu.memref_slice %arg4[%dma_wait3A_50, %arg1, %dma_wait3A_58, %dma_wait3A_59] : memref<2x16x160x125xi32, #tpu.memory_space<hbm>> -> memref<1x1x160x125xi32, #tpu.memory_space<hbm>>
    %dma_wait3A_61 = tpu.memref_squeeze %dma_wait3A_60 : memref<1x1x160x125xi32, #tpu.memory_space<hbm>> -> memref<160x125xi32, #tpu.memory_space<hbm>>
    tpu.wait_dma2 semaphore(%dma_wait3A_57 : memref<!tpu.dma_semaphore, #tpu.memory_space<semaphore_mem>>) src(%dma_wait3A_61 : memref<160x125xi32, #tpu.memory_space<hbm>>) dst(%arg7 : memref<160x125xi32, #tpu.memory_space<vmem>>)
    %barrier3A = arith.constant 0 : index
    tpu.barrier barrier_id(%barrier3A)
    %eq3A = arith.constant 0 : i32
    %eq3A_62 = arith.cmpi eq, %arg0, %eq3A : i32
    %convert_element_type3A = arith.extui %eq3A_62 : i1 to i32
    %cond3A = arith.constant 0 : i32
    %cond3A_63 = arith.cmpi ne, %convert_element_type3A, %cond3A : i32
    scf.if %cond3A_63 {
      %dma_start3A_70 = arith.constant 0 : i32
      %dma_start3A_71 = arith.constant 0 : i32
      %dma_start3A_72 = arith.constant 0 : i32
      %dma_start3A_73 = arith.constant 0 : i32
      %dma_start3A_74 = arith.constant 0 : i32
      %dma_start3A_75 = tpu.memref_slice %arg8[%dma_start3A_71, %dma_start3A_73, %dma_start3A_74] : memref<5x125x64xf32, #tpu.memory_space<vmem>> -> memref<1x125x64xf32, #tpu.memory_space<vmem>>
      %dma_start3A_76 = tpu.memref_squeeze %dma_start3A_75 : memref<1x125x64xf32, #tpu.memory_space<vmem>> -> memref<125x64xf32, #tpu.memory_space<vmem>>
      %dma_start3A_77 = arith.constant 0 : i32
      %dma_start3A_78 = tpu.memref_slice %arg6[%dma_start3A_70, %dma_start3A_77] : memref<160x125xi32, #tpu.memory_space<vmem>> -> memref<1x125xi32, #tpu.memory_space<vmem>>
      %dma_start3A_79 = tpu.memref_squeeze %dma_start3A_78 : memref<1x125xi32, #tpu.memory_space<vmem>> -> memref<125xi32, #tpu.memory_space<vmem>>
      %dma_start3A_80 = arith.constant 0 : i32
      %dma_start3A_81 = arith.constant 0 : i32
      %dma_start3A_82 = tpu.memref_slice %arg2[%dma_start3A_80, %dma_start3A_81] : memref<10000x64xf32, #tpu.memory_space<hbm>> -> memref<10000x64xf32, #tpu.memory_space<hbm>>
      %dma_start3A_83 = tpu.memref_slice %arg11[%dma_start3A_72] : memref<5x!tpu.dma_semaphore, #tpu.memory_space<semaphore_mem>> -> memref<1x!tpu.dma_semaphore, #tpu.memory_space<semaphore_mem>>
      %dma_start3A_84 = tpu.memref_squeeze %dma_start3A_83 : memref<1x!tpu.dma_semaphore, #tpu.memory_space<semaphore_mem>> -> memref<!tpu.dma_semaphore, #tpu.memory_space<semaphore_mem>>
      tpu.enqueue_indirect_dma source(%dma_start3A_82 : memref<10000x64xf32, #tpu.memory_space<hbm>>) target(%dma_start3A_76 : memref<125x64xf32, #tpu.memory_space<vmem>>) offsets(%dma_start3A_79 : memref<125xi32, #tpu.memory_space<vmem>>) semaphore(%dma_start3A_84 : memref<!tpu.dma_semaphore, #tpu.memory_space<semaphore_mem>>)
      %dma_start3A_85 = arith.constant 1 : i32
      %dma_start3A_86 = arith.constant 1 : i32
      %dma_start3A_87 = arith.constant 1 : i32
      %dma_start3A_88 = arith.constant 0 : i32
      %dma_start3A_89 = arith.constant 0 : i32
      %dma_start3A_90 = tpu.memref_slice %arg8[%dma_start3A_86, %dma_start3A_88, %dma_start3A_89] : memref<5x125x64xf32, #tpu.memory_space<vmem>> -> memref<1x125x64xf32, #tpu.memory_space<vmem>>
      %dma_start3A_91 = tpu.memref_squeeze %dma_start3A_90 : memref<1x125x64xf32, #tpu.memory_space<vmem>> -> memref<125x64xf32, #tpu.memory_space<vmem>>
      %dma_start3A_92 = arith.constant 0 : i32
      %dma_start3A_93 = tpu.memref_slice %arg6[%dma_start3A_85, %dma_start3A_92] : memref<160x125xi32, #tpu.memory_space<vmem>> -> memref<1x125xi32, #tpu.memory_space<vmem>>
      %dma_start3A_94 = tpu.memref_squeeze %dma_start3A_93 : memref<1x125xi32, #tpu.memory_space<vmem>> -> memref<125xi32, #tpu.memory_space<vmem>>
      %dma_start3A_95 = arith.constant 0 : i32
      %dma_start3A_96 = arith.constant 0 : i32
      %dma_start3A_97 = tpu.memref_slice %arg2[%dma_start3A_95, %dma_start3A_96] : memref<10000x64xf32, #tpu.memory_space<hbm>> -> memref<10000x64xf32, #tpu.memory_space<hbm>>
      %dma_start3A_98 = tpu.memref_slice %arg11[%dma_start3A_87] : memref<5x!tpu.dma_semaphore, #tpu.memory_space<semaphore_mem>> -> memref<1x!tpu.dma_semaphore, #tpu.memory_space<semaphore_mem>>
      %dma_start3A_99 = tpu.memref_squeeze %dma_start3A_98 : memref<1x!tpu.dma_semaphore, #tpu.memory_space<semaphore_mem>> -> memref<!tpu.dma_semaphore, #tpu.memory_space<semaphore_mem>>
      tpu.enqueue_indirect_dma source(%dma_start3A_97 : memref<10000x64xf32, #tpu.memory_space<hbm>>) target(%dma_start3A_91 : memref<125x64xf32, #tpu.memory_space<vmem>>) offsets(%dma_start3A_94 : memref<125xi32, #tpu.memory_space<vmem>>) semaphore(%dma_start3A_99 : memref<!tpu.dma_semaphore, #tpu.memory_space<semaphore_mem>>)
      %dma_start3A_100 = arith.constant 2 : i32
      %dma_start3A_101 = arith.constant 2 : i32
      %dma_start3A_102 = arith.constant 2 : i32
      %dma_start3A_103 = arith.constant 0 : i32
      %dma_start3A_104 = arith.constant 0 : i32
      %dma_start3A_105 = tpu.memref_slice %arg8[%dma_start3A_101, %dma_start3A_103, %dma_start3A_104] : memref<5x125x64xf32, #tpu.memory_space<vmem>> -> memref<1x125x64xf32, #tpu.memory_space<vmem>>
      %dma_start3A_106 = tpu.memref_squeeze %dma_start3A_105 : memref<1x125x64xf32, #tpu.memory_space<vmem>> -> memref<125x64xf32, #tpu.memory_space<vmem>>
      %dma_start3A_107 = arith.constant 0 : i32
      %dma_start3A_108 = tpu.memref_slice %arg6[%dma_start3A_100, %dma_start3A_107] : memref<160x125xi32, #tpu.memory_space<vmem>> -> memref<1x125xi32, #tpu.memory_space<vmem>>
      %dma_start3A_109 = tpu.memref_squeeze %dma_start3A_108 : memref<1x125xi32, #tpu.memory_space<vmem>> -> memref<125xi32, #tpu.memory_space<vmem>>
      %dma_start3A_110 = arith.constant 0 : i32
      %dma_start3A_111 = arith.constant 0 : i32
      %dma_start3A_112 = tpu.memref_slice %arg2[%dma_start3A_110, %dma_start3A_111] : memref<10000x64xf32, #tpu.memory_space<hbm>> -> memref<10000x64xf32, #tpu.memory_space<hbm>>
      %dma_start3A_113 = tpu.memref_slice %arg11[%dma_start3A_102] : memref<5x!tpu.dma_semaphore, #tpu.memory_space<semaphore_mem>> -> memref<1x!tpu.dma_semaphore, #tpu.memory_space<semaphore_mem>>
      %dma_start3A_114 = tpu.memref_squeeze %dma_start3A_113 : memref<1x!tpu.dma_semaphore, #tpu.memory_space<semaphore_mem>> -> memref<!tpu.dma_semaphore, #tpu.memory_space<semaphore_mem>>
      tpu.enqueue_indirect_dma source(%dma_start3A_112 : memref<10000x64xf32, #tpu.memory_space<hbm>>) target(%dma_start3A_106 : memref<125x64xf32, #tpu.memory_space<vmem>>) offsets(%dma_start3A_109 : memref<125xi32, #tpu.memory_space<vmem>>) semaphore(%dma_start3A_114 : memref<!tpu.dma_semaphore, #tpu.memory_space<semaphore_mem>>)
      %dma_start3A_115 = arith.constant 3 : i32
      %dma_start3A_116 = arith.constant 3 : i32
      %dma_start3A_117 = arith.constant 3 : i32
      %dma_start3A_118 = arith.constant 0 : i32
      %dma_start3A_119 = arith.constant 0 : i32
      %dma_start3A_120 = tpu.memref_slice %arg8[%dma_start3A_116, %dma_start3A_118, %dma_start3A_119] : memref<5x125x64xf32, #tpu.memory_space<vmem>> -> memref<1x125x64xf32, #tpu.memory_space<vmem>>
      %dma_start3A_121 = tpu.memref_squeeze %dma_start3A_120 : memref<1x125x64xf32, #tpu.memory_space<vmem>> -> memref<125x64xf32, #tpu.memory_space<vmem>>
      %dma_start3A_122 = arith.constant 0 : i32
      %dma_start3A_123 = tpu.memref_slice %arg6[%dma_start3A_115, %dma_start3A_122] : memref<160x125xi32, #tpu.memory_space<vmem>> -> memref<1x125xi32, #tpu.memory_space<vmem>>
      %dma_start3A_124 = tpu.memref_squeeze %dma_start3A_123 : memref<1x125xi32, #tpu.memory_space<vmem>> -> memref<125xi32, #tpu.memory_space<vmem>>
      %dma_start3A_125 = arith.constant 0 : i32
      %dma_start3A_126 = arith.constant 0 : i32
      %dma_start3A_127 = tpu.memref_slice %arg2[%dma_start3A_125, %dma_start3A_126] : memref<10000x64xf32, #tpu.memory_space<hbm>> -> memref<10000x64xf32, #tpu.memory_space<hbm>>
      %dma_start3A_128 = tpu.memref_slice %arg11[%dma_start3A_117] : memref<5x!tpu.dma_semaphore, #tpu.memory_space<semaphore_mem>> -> memref<1x!tpu.dma_semaphore, #tpu.memory_space<semaphore_mem>>
      %dma_start3A_129 = tpu.memref_squeeze %dma_start3A_128 : memref<1x!tpu.dma_semaphore, #tpu.memory_space<semaphore_mem>> -> memref<!tpu.dma_semaphore, #tpu.memory_space<semaphore_mem>>
      tpu.enqueue_indirect_dma source(%dma_start3A_127 : memref<10000x64xf32, #tpu.memory_space<hbm>>) target(%dma_start3A_121 : memref<125x64xf32, #tpu.memory_space<vmem>>) offsets(%dma_start3A_124 : memref<125xi32, #tpu.memory_space<vmem>>) semaphore(%dma_start3A_129 : memref<!tpu.dma_semaphore, #tpu.memory_space<semaphore_mem>>)
      %dma_start3A_130 = arith.constant 4 : i32
      %dma_start3A_131 = arith.constant 4 : i32
      %dma_start3A_132 = arith.constant 4 : i32
      %dma_start3A_133 = arith.constant 0 : i32
      %dma_start3A_134 = arith.constant 0 : i32
      %dma_start3A_135 = tpu.memref_slice %arg8[%dma_start3A_131, %dma_start3A_133, %dma_start3A_134] : memref<5x125x64xf32, #tpu.memory_space<vmem>> -> memref<1x125x64xf32, #tpu.memory_space<vmem>>
      %dma_start3A_136 = tpu.memref_squeeze %dma_start3A_135 : memref<1x125x64xf32, #tpu.memory_space<vmem>> -> memref<125x64xf32, #tpu.memory_space<vmem>>
      %dma_start3A_137 = arith.constant 0 : i32
      %dma_start3A_138 = tpu.memref_slice %arg6[%dma_start3A_130, %dma_start3A_137] : memref<160x125xi32, #tpu.memory_space<vmem>> -> memref<1x125xi32, #tpu.memory_space<vmem>>
      %dma_start3A_139 = tpu.memref_squeeze %dma_start3A_138 : memref<1x125xi32, #tpu.memory_space<vmem>> -> memref<125xi32, #tpu.memory_space<vmem>>
      %dma_start3A_140 = arith.constant 0 : i32
      %dma_start3A_141 = arith.constant 0 : i32
      %dma_start3A_142 = tpu.memref_slice %arg2[%dma_start3A_140, %dma_start3A_141] : memref<10000x64xf32, #tpu.memory_space<hbm>> -> memref<10000x64xf32, #tpu.memory_space<hbm>>
      %dma_start3A_143 = tpu.memref_slice %arg11[%dma_start3A_132] : memref<5x!tpu.dma_semaphore, #tpu.memory_space<semaphore_mem>> -> memref<1x!tpu.dma_semaphore, #tpu.memory_space<semaphore_mem>>
      %dma_start3A_144 = tpu.memref_squeeze %dma_start3A_143 : memref<1x!tpu.dma_semaphore, #tpu.memory_space<semaphore_mem>> -> memref<!tpu.dma_semaphore, #tpu.memory_space<semaphore_mem>>
      tpu.enqueue_indirect_dma source(%dma_start3A_142 : memref<10000x64xf32, #tpu.memory_space<hbm>>) target(%dma_start3A_136 : memref<125x64xf32, #tpu.memory_space<vmem>>) offsets(%dma_start3A_139 : memref<125xi32, #tpu.memory_space<vmem>>) semaphore(%dma_start3A_144 : memref<!tpu.dma_semaphore, #tpu.memory_space<semaphore_mem>>)
      %scan3A_145 = arith.constant 0 : i32
      %scan3A_146 = arith.constant 32 : i32
      %scan3A_147 = arith.addi %scan3A_145, %scan3A_146 : i32
      %scan3A_148 = arith.constant 1 : i32
      scf.for %scan3A_150 = %scan3A_145 to %scan3A_147 step %scan3A_148  : i32 {
        %mul3A_151 = arith.constant 1 : i32
        %mul3A_152 = arith.muli %scan3A_150, %mul3A_151 : i32
        %add3A = arith.constant 0 : i32
        %add3A_153 = arith.addi %add3A, %mul3A_152 : i32
        %mul3A_154 = arith.constant 5 : i32
        %mul3A_155 = arith.muli %add3A_153, %mul3A_154 : i32
        %add3A_156 = arith.constant 0 : i32
        %add3A_157 = arith.addi %mul3A_155, %add3A_156 : i32
        %dma_wait3A_158 = arith.constant 0 : i32
        %dma_wait3A_159 = arith.constant 0 : i32
        %dma_wait3A_160 = arith.constant 0 : i32
        %dma_wait3A_161 = arith.constant 0 : i32
        %dma_wait3A_162 = tpu.memref_slice %arg8[%dma_wait3A_158, %dma_wait3A_160, %dma_wait3A_161] : memref<5x125x64xf32, #tpu.memory_space<vmem>> -> memref<1x125x64xf32, #tpu.memory_space<vmem>>
        %dma_wait3A_163 = tpu.memref_squeeze %dma_wait3A_162 : memref<1x125x64xf32, #tpu.memory_space<vmem>> -> memref<125x64xf32, #tpu.memory_space<vmem>>
        %dma_wait3A_164 = arith.constant 0 : i32
        %dma_wait3A_165 = tpu.memref_slice %arg6[%add3A_157, %dma_wait3A_164] : memref<160x125xi32, #tpu.memory_space<vmem>> -> memref<1x125xi32, #tpu.memory_space<vmem>>
        %dma_wait3A_166 = tpu.memref_squeeze %dma_wait3A_165 : memref<1x125xi32, #tpu.memory_space<vmem>> -> memref<125xi32, #tpu.memory_space<vmem>>
        %dma_wait3A_167 = arith.constant 0 : i32
        %dma_wait3A_168 = arith.constant 0 : i32
        %dma_wait3A_169 = tpu.memref_slice %arg2[%dma_wait3A_167, %dma_wait3A_168] : memref<10000x64xf32, #tpu.memory_space<hbm>> -> memref<10000x64xf32, #tpu.memory_space<hbm>>
        %dma_wait3A_170 = tpu.memref_slice %arg11[%dma_wait3A_159] : memref<5x!tpu.dma_semaphore, #tpu.memory_space<semaphore_mem>> -> memref<1x!tpu.dma_semaphore, #tpu.memory_space<semaphore_mem>>
        %dma_wait3A_171 = tpu.memref_squeeze %dma_wait3A_170 : memref<1x!tpu.dma_semaphore, #tpu.memory_space<semaphore_mem>> -> memref<!tpu.dma_semaphore, #tpu.memory_space<semaphore_mem>>
        tpu.wait_indirect_dma semaphore(%dma_wait3A_171 : memref<!tpu.dma_semaphore, #tpu.memory_space<semaphore_mem>>) src(%dma_wait3A_169 : memref<10000x64xf32, #tpu.memory_space<hbm>>) dst(%dma_wait3A_163 : memref<125x64xf32, #tpu.memory_space<vmem>>)
        %dma_start3A_172 = arith.constant 0 : i32
        %dma_start3A_173 = arith.constant 0 : i32
        %dma_start3A_174 = arith.constant 0 : i32
        %dma_start3A_175 = arith.constant 0 : i32
        %dma_start3A_176 = tpu.memref_slice %arg8[%dma_start3A_172, %dma_start3A_174, %dma_start3A_175] : memref<5x125x64xf32, #tpu.memory_space<vmem>> -> memref<1x125x64xf32, #tpu.memory_space<vmem>>
        %dma_start3A_177 = tpu.memref_squeeze %dma_start3A_176 : memref<1x125x64xf32, #tpu.memory_space<vmem>> -> memref<125x64xf32, #tpu.memory_space<vmem>>
        %dma_start3A_178 = arith.constant 0 : i32
        %dma_start3A_179 = tpu.memref_slice %arg7[%add3A_157, %dma_start3A_178] : memref<160x125xi32, #tpu.memory_space<vmem>> -> memref<1x125xi32, #tpu.memory_space<vmem>>
        %dma_start3A_180 = tpu.memref_squeeze %dma_start3A_179 : memref<1x125xi32, #tpu.memory_space<vmem>> -> memref<125xi32, #tpu.memory_space<vmem>>
        %dma_start3A_181 = arith.constant 0 : i32
        %dma_start3A_182 = arith.constant 0 : i32
        %dma_start3A_183 = tpu.memref_slice %arg10[%dma_start3A_181, %dma_start3A_182] : memref<10000x64xf32, #tpu.memory_space<vmem_shared>> -> memref<10000x64xf32, #tpu.memory_space<vmem_shared>>
        %dma_start3A_184 = tpu.memref_slice %arg12[%dma_start3A_173] : memref<5x!tpu.dma_semaphore, #tpu.memory_space<semaphore_mem>> -> memref<1x!tpu.dma_semaphore, #tpu.memory_space<semaphore_mem>>
        %dma_start3A_185 = tpu.memref_squeeze %dma_start3A_184 : memref<1x!tpu.dma_semaphore, #tpu.memory_space<semaphore_mem>> -> memref<!tpu.dma_semaphore, #tpu.memory_space<semaphore_mem>>
        tpu.enqueue_indirect_dma source(%dma_start3A_177 : memref<125x64xf32, #tpu.memory_space<vmem>>) target(%dma_start3A_183 : memref<10000x64xf32, #tpu.memory_space<vmem_shared>>) offsets(%dma_start3A_180 : memref<125xi32, #tpu.memory_space<vmem>>) semaphore(%dma_start3A_185 : memref<!tpu.dma_semaphore, #tpu.memory_space<semaphore_mem>>) {add = true}
        %add3A_186 = arith.constant 1 : i32
        %add3A_187 = arith.addi %mul3A_155, %add3A_186 : i32
        %dma_wait3A_188 = arith.constant 1 : i32
        %dma_wait3A_189 = arith.constant 1 : i32
        %dma_wait3A_190 = arith.constant 0 : i32
        %dma_wait3A_191 = arith.constant 0 : i32
        %dma_wait3A_192 = tpu.memref_slice %arg8[%dma_wait3A_188, %dma_wait3A_190, %dma_wait3A_191] : memref<5x125x64xf32, #tpu.memory_space<vmem>> -> memref<1x125x64xf32, #tpu.memory_space<vmem>>
        %dma_wait3A_193 = tpu.memref_squeeze %dma_wait3A_192 : memref<1x125x64xf32, #tpu.memory_space<vmem>> -> memref<125x64xf32, #tpu.memory_space<vmem>>
        %dma_wait3A_194 = arith.constant 0 : i32
        %dma_wait3A_195 = tpu.memref_slice %arg6[%add3A_187, %dma_wait3A_194] : memref<160x125xi32, #tpu.memory_space<vmem>> -> memref<1x125xi32, #tpu.memory_space<vmem>>
        %dma_wait3A_196 = tpu.memref_squeeze %dma_wait3A_195 : memref<1x125xi32, #tpu.memory_space<vmem>> -> memref<125xi32, #tpu.memory_space<vmem>>
        %dma_wait3A_197 = arith.constant 0 : i32
        %dma_wait3A_198 = arith.constant 0 : i32
        %dma_wait3A_199 = tpu.memref_slice %arg2[%dma_wait3A_197, %dma_wait3A_198] : memref<10000x64xf32, #tpu.memory_space<hbm>> -> memref<10000x64xf32, #tpu.memory_space<hbm>>
        %dma_wait3A_200 = tpu.memref_slice %arg11[%dma_wait3A_189] : memref<5x!tpu.dma_semaphore, #tpu.memory_space<semaphore_mem>> -> memref<1x!tpu.dma_semaphore, #tpu.memory_space<semaphore_mem>>
        %dma_wait3A_201 = tpu.memref_squeeze %dma_wait3A_200 : memref<1x!tpu.dma_semaphore, #tpu.memory_space<semaphore_mem>> -> memref<!tpu.dma_semaphore, #tpu.memory_space<semaphore_mem>>
        tpu.wait_indirect_dma semaphore(%dma_wait3A_201 : memref<!tpu.dma_semaphore, #tpu.memory_space<semaphore_mem>>) src(%dma_wait3A_199 : memref<10000x64xf32, #tpu.memory_space<hbm>>) dst(%dma_wait3A_193 : memref<125x64xf32, #tpu.memory_space<vmem>>)
        %dma_start3A_202 = arith.constant 1 : i32
        %dma_start3A_203 = arith.constant 1 : i32
        %dma_start3A_204 = arith.constant 0 : i32
        %dma_start3A_205 = arith.constant 0 : i32
        %dma_start3A_206 = tpu.memref_slice %arg8[%dma_start3A_202, %dma_start3A_204, %dma_start3A_205] : memref<5x125x64xf32, #tpu.memory_space<vmem>> -> memref<1x125x64xf32, #tpu.memory_space<vmem>>
        %dma_start3A_207 = tpu.memref_squeeze %dma_start3A_206 : memref<1x125x64xf32, #tpu.memory_space<vmem>> -> memref<125x64xf32, #tpu.memory_space<vmem>>
        %dma_start3A_208 = arith.constant 0 : i32
        %dma_start3A_209 = tpu.memref_slice %arg7[%add3A_187, %dma_start3A_208] : memref<160x125xi32, #tpu.memory_space<vmem>> -> memref<1x125xi32, #tpu.memory_space<vmem>>
        %dma_start3A_210 = tpu.memref_squeeze %dma_start3A_209 : memref<1x125xi32, #tpu.memory_space<vmem>> -> memref<125xi32, #tpu.memory_space<vmem>>
        %dma_start3A_211 = arith.constant 0 : i32
        %dma_start3A_212 = arith.constant 0 : i32
        %dma_start3A_213 = tpu.memref_slice %arg10[%dma_start3A_211, %dma_start3A_212] : memref<10000x64xf32, #tpu.memory_space<vmem_shared>> -> memref<10000x64xf32, #tpu.memory_space<vmem_shared>>
        %dma_start3A_214 = tpu.memref_slice %arg12[%dma_start3A_203] : memref<5x!tpu.dma_semaphore, #tpu.memory_space<semaphore_mem>> -> memref<1x!tpu.dma_semaphore, #tpu.memory_space<semaphore_mem>>
        %dma_start3A_215 = tpu.memref_squeeze %dma_start3A_214 : memref<1x!tpu.dma_semaphore, #tpu.memory_space<semaphore_mem>> -> memref<!tpu.dma_semaphore, #tpu.memory_space<semaphore_mem>>
        tpu.enqueue_indirect_dma source(%dma_start3A_207 : memref<125x64xf32, #tpu.memory_space<vmem>>) target(%dma_start3A_213 : memref<10000x64xf32, #tpu.memory_space<vmem_shared>>) offsets(%dma_start3A_210 : memref<125xi32, #tpu.memory_space<vmem>>) semaphore(%dma_start3A_215 : memref<!tpu.dma_semaphore, #tpu.memory_space<semaphore_mem>>) {add = true}
        %add3A_216 = arith.constant 2 : i32
        %add3A_217 = arith.addi %mul3A_155, %add3A_216 : i32
        %dma_wait3A_218 = arith.constant 2 : i32
        %dma_wait3A_219 = arith.constant 2 : i32
        %dma_wait3A_220 = arith.constant 0 : i32
        %dma_wait3A_221 = arith.constant 0 : i32
        %dma_wait3A_222 = tpu.memref_slice %arg8[%dma_wait3A_218, %dma_wait3A_220, %dma_wait3A_221] : memref<5x125x64xf32, #tpu.memory_space<vmem>> -> memref<1x125x64xf32, #tpu.memory_space<vmem>>
        %dma_wait3A_223 = tpu.memref_squeeze %dma_wait3A_222 : memref<1x125x64xf32, #tpu.memory_space<vmem>> -> memref<125x64xf32, #tpu.memory_space<vmem>>
        %dma_wait3A_224 = arith.constant 0 : i32
        %dma_wait3A_225 = tpu.memref_slice %arg6[%add3A_217, %dma_wait3A_224] : memref<160x125xi32, #tpu.memory_space<vmem>> -> memref<1x125xi32, #tpu.memory_space<vmem>>
        %dma_wait3A_226 = tpu.memref_squeeze %dma_wait3A_225 : memref<1x125xi32, #tpu.memory_space<vmem>> -> memref<125xi32, #tpu.memory_space<vmem>>
        %dma_wait3A_227 = arith.constant 0 : i32
        %dma_wait3A_228 = arith.constant 0 : i32
        %dma_wait3A_229 = tpu.memref_slice %arg2[%dma_wait3A_227, %dma_wait3A_228] : memref<10000x64xf32, #tpu.memory_space<hbm>> -> memref<10000x64xf32, #tpu.memory_space<hbm>>
        %dma_wait3A_230 = tpu.memref_slice %arg11[%dma_wait3A_219] : memref<5x!tpu.dma_semaphore, #tpu.memory_space<semaphore_mem>> -> memref<1x!tpu.dma_semaphore, #tpu.memory_space<semaphore_mem>>
        %dma_wait3A_231 = tpu.memref_squeeze %dma_wait3A_230 : memref<1x!tpu.dma_semaphore, #tpu.memory_space<semaphore_mem>> -> memref<!tpu.dma_semaphore, #tpu.memory_space<semaphore_mem>>
        tpu.wait_indirect_dma semaphore(%dma_wait3A_231 : memref<!tpu.dma_semaphore, #tpu.memory_space<semaphore_mem>>) src(%dma_wait3A_229 : memref<10000x64xf32, #tpu.memory_space<hbm>>) dst(%dma_wait3A_223 : memref<125x64xf32, #tpu.memory_space<vmem>>)
        %dma_start3A_232 = arith.constant 2 : i32
        %dma_start3A_233 = arith.constant 2 : i32
        %dma_start3A_234 = arith.constant 0 : i32
        %dma_start3A_235 = arith.constant 0 : i32
        %dma_start3A_236 = tpu.memref_slice %arg8[%dma_start3A_232, %dma_start3A_234, %dma_start3A_235] : memref<5x125x64xf32, #tpu.memory_space<vmem>> -> memref<1x125x64xf32, #tpu.memory_space<vmem>>
        %dma_start3A_237 = tpu.memref_squeeze %dma_start3A_236 : memref<1x125x64xf32, #tpu.memory_space<vmem>> -> memref<125x64xf32, #tpu.memory_space<vmem>>
        %dma_start3A_238 = arith.constant 0 : i32
        %dma_start3A_239 = tpu.memref_slice %arg7[%add3A_217, %dma_start3A_238] : memref<160x125xi32, #tpu.memory_space<vmem>> -> memref<1x125xi32, #tpu.memory_space<vmem>>
        %dma_start3A_240 = tpu.memref_squeeze %dma_start3A_239 : memref<1x125xi32, #tpu.memory_space<vmem>> -> memref<125xi32, #tpu.memory_space<vmem>>
        %dma_start3A_241 = arith.constant 0 : i32
        %dma_start3A_242 = arith.constant 0 : i32
        %dma_start3A_243 = tpu.memref_slice %arg10[%dma_start3A_241, %dma_start3A_242] : memref<10000x64xf32, #tpu.memory_space<vmem_shared>> -> memref<10000x64xf32, #tpu.memory_space<vmem_shared>>
        %dma_start3A_244 = tpu.memref_slice %arg12[%dma_start3A_233] : memref<5x!tpu.dma_semaphore, #tpu.memory_space<semaphore_mem>> -> memref<1x!tpu.dma_semaphore, #tpu.memory_space<semaphore_mem>>
        %dma_start3A_245 = tpu.memref_squeeze %dma_start3A_244 : memref<1x!tpu.dma_semaphore, #tpu.memory_space<semaphore_mem>> -> memref<!tpu.dma_semaphore, #tpu.memory_space<semaphore_mem>>
        tpu.enqueue_indirect_dma source(%dma_start3A_237 : memref<125x64xf32, #tpu.memory_space<vmem>>) target(%dma_start3A_243 : memref<10000x64xf32, #tpu.memory_space<vmem_shared>>) offsets(%dma_start3A_240 : memref<125xi32, #tpu.memory_space<vmem>>) semaphore(%dma_start3A_245 : memref<!tpu.dma_semaphore, #tpu.memory_space<semaphore_mem>>) {add = true}
        %add3A_246 = arith.constant 3 : i32
        %add3A_247 = arith.addi %mul3A_155, %add3A_246 : i32
        %dma_wait3A_248 = arith.constant 3 : i32
        %dma_wait3A_249 = arith.constant 3 : i32
        %dma_wait3A_250 = arith.constant 0 : i32
        %dma_wait3A_251 = arith.constant 0 : i32
        %dma_wait3A_252 = tpu.memref_slice %arg8[%dma_wait3A_248, %dma_wait3A_250, %dma_wait3A_251] : memref<5x125x64xf32, #tpu.memory_space<vmem>> -> memref<1x125x64xf32, #tpu.memory_space<vmem>>
        %dma_wait3A_253 = tpu.memref_squeeze %dma_wait3A_252 : memref<1x125x64xf32, #tpu.memory_space<vmem>> -> memref<125x64xf32, #tpu.memory_space<vmem>>
        %dma_wait3A_254 = arith.constant 0 : i32
        %dma_wait3A_255 = tpu.memref_slice %arg6[%add3A_247, %dma_wait3A_254] : memref<160x125xi32, #tpu.memory_space<vmem>> -> memref<1x125xi32, #tpu.memory_space<vmem>>
        %dma_wait3A_256 = tpu.memref_squeeze %dma_wait3A_255 : memref<1x125xi32, #tpu.memory_space<vmem>> -> memref<125xi32, #tpu.memory_space<vmem>>
        %dma_wait3A_257 = arith.constant 0 : i32
        %dma_wait3A_258 = arith.constant 0 : i32
        %dma_wait3A_259 = tpu.memref_slice %arg2[%dma_wait3A_257, %dma_wait3A_258] : memref<10000x64xf32, #tpu.memory_space<hbm>> -> memref<10000x64xf32, #tpu.memory_space<hbm>>
        %dma_wait3A_260 = tpu.memref_slice %arg11[%dma_wait3A_249] : memref<5x!tpu.dma_semaphore, #tpu.memory_space<semaphore_mem>> -> memref<1x!tpu.dma_semaphore, #tpu.memory_space<semaphore_mem>>
        %dma_wait3A_261 = tpu.memref_squeeze %dma_wait3A_260 : memref<1x!tpu.dma_semaphore, #tpu.memory_space<semaphore_mem>> -> memref<!tpu.dma_semaphore, #tpu.memory_space<semaphore_mem>>
        tpu.wait_indirect_dma semaphore(%dma_wait3A_261 : memref<!tpu.dma_semaphore, #tpu.memory_space<semaphore_mem>>) src(%dma_wait3A_259 : memref<10000x64xf32, #tpu.memory_space<hbm>>) dst(%dma_wait3A_253 : memref<125x64xf32, #tpu.memory_space<vmem>>)
        %dma_start3A_262 = arith.constant 3 : i32
        %dma_start3A_263 = arith.constant 3 : i32
        %dma_start3A_264 = arith.constant 0 : i32
        %dma_start3A_265 = arith.constant 0 : i32
        %dma_start3A_266 = tpu.memref_slice %arg8[%dma_start3A_262, %dma_start3A_264, %dma_start3A_265] : memref<5x125x64xf32, #tpu.memory_space<vmem>> -> memref<1x125x64xf32, #tpu.memory_space<vmem>>
        %dma_start3A_267 = tpu.memref_squeeze %dma_start3A_266 : memref<1x125x64xf32, #tpu.memory_space<vmem>> -> memref<125x64xf32, #tpu.memory_space<vmem>>
        %dma_start3A_268 = arith.constant 0 : i32
        %dma_start3A_269 = tpu.memref_slice %arg7[%add3A_247, %dma_start3A_268] : memref<160x125xi32, #tpu.memory_space<vmem>> -> memref<1x125xi32, #tpu.memory_space<vmem>>
        %dma_start3A_270 = tpu.memref_squeeze %dma_start3A_269 : memref<1x125xi32, #tpu.memory_space<vmem>> -> memref<125xi32, #tpu.memory_space<vmem>>
        %dma_start3A_271 = arith.constant 0 : i32
        %dma_start3A_272 = arith.constant 0 : i32
        %dma_start3A_273 = tpu.memref_slice %arg10[%dma_start3A_271, %dma_start3A_272] : memref<10000x64xf32, #tpu.memory_space<vmem_shared>> -> memref<10000x64xf32, #tpu.memory_space<vmem_shared>>
        %dma_start3A_274 = tpu.memref_slice %arg12[%dma_start3A_263] : memref<5x!tpu.dma_semaphore, #tpu.memory_space<semaphore_mem>> -> memref<1x!tpu.dma_semaphore, #tpu.memory_space<semaphore_mem>>
        %dma_start3A_275 = tpu.memref_squeeze %dma_start3A_274 : memref<1x!tpu.dma_semaphore, #tpu.memory_space<semaphore_mem>> -> memref<!tpu.dma_semaphore, #tpu.memory_space<semaphore_mem>>
        tpu.enqueue_indirect_dma source(%dma_start3A_267 : memref<125x64xf32, #tpu.memory_space<vmem>>) target(%dma_start3A_273 : memref<10000x64xf32, #tpu.memory_space<vmem_shared>>) offsets(%dma_start3A_270 : memref<125xi32, #tpu.memory_space<vmem>>) semaphore(%dma_start3A_275 : memref<!tpu.dma_semaphore, #tpu.memory_space<semaphore_mem>>) {add = true}
        %add3A_276 = arith.constant 4 : i32
        %add3A_277 = arith.addi %mul3A_155, %add3A_276 : i32
        %dma_wait3A_278 = arith.constant 4 : i32
        %dma_wait3A_279 = arith.constant 4 : i32
        %dma_wait3A_280 = arith.constant 0 : i32
        %dma_wait3A_281 = arith.constant 0 : i32
        %dma_wait3A_282 = tpu.memref_slice %arg8[%dma_wait3A_278, %dma_wait3A_280, %dma_wait3A_281] : memref<5x125x64xf32, #tpu.memory_space<vmem>> -> memref<1x125x64xf32, #tpu.memory_space<vmem>>
        %dma_wait3A_283 = tpu.memref_squeeze %dma_wait3A_282 : memref<1x125x64xf32, #tpu.memory_space<vmem>> -> memref<125x64xf32, #tpu.memory_space<vmem>>
        %dma_wait3A_284 = arith.constant 0 : i32
        %dma_wait3A_285 = tpu.memref_slice %arg6[%add3A_277, %dma_wait3A_284] : memref<160x125xi32, #tpu.memory_space<vmem>> -> memref<1x125xi32, #tpu.memory_space<vmem>>
        %dma_wait3A_286 = tpu.memref_squeeze %dma_wait3A_285 : memref<1x125xi32, #tpu.memory_space<vmem>> -> memref<125xi32, #tpu.memory_space<vmem>>
        %dma_wait3A_287 = arith.constant 0 : i32
        %dma_wait3A_288 = arith.constant 0 : i32
        %dma_wait3A_289 = tpu.memref_slice %arg2[%dma_wait3A_287, %dma_wait3A_288] : memref<10000x64xf32, #tpu.memory_space<hbm>> -> memref<10000x64xf32, #tpu.memory_space<hbm>>
        %dma_wait3A_290 = tpu.memref_slice %arg11[%dma_wait3A_279] : memref<5x!tpu.dma_semaphore, #tpu.memory_space<semaphore_mem>> -> memref<1x!tpu.dma_semaphore, #tpu.memory_space<semaphore_mem>>
        %dma_wait3A_291 = tpu.memref_squeeze %dma_wait3A_290 : memref<1x!tpu.dma_semaphore, #tpu.memory_space<semaphore_mem>> -> memref<!tpu.dma_semaphore, #tpu.memory_space<semaphore_mem>>
        tpu.wait_indirect_dma semaphore(%dma_wait3A_291 : memref<!tpu.dma_semaphore, #tpu.memory_space<semaphore_mem>>) src(%dma_wait3A_289 : memref<10000x64xf32, #tpu.memory_space<hbm>>) dst(%dma_wait3A_283 : memref<125x64xf32, #tpu.memory_space<vmem>>)
        %dma_start3A_292 = arith.constant 4 : i32
        %dma_start3A_293 = arith.constant 4 : i32
        %dma_start3A_294 = arith.constant 0 : i32
        %dma_start3A_295 = arith.constant 0 : i32
        %dma_start3A_296 = tpu.memref_slice %arg8[%dma_start3A_292, %dma_start3A_294, %dma_start3A_295] : memref<5x125x64xf32, #tpu.memory_space<vmem>> -> memref<1x125x64xf32, #tpu.memory_space<vmem>>
        %dma_start3A_297 = tpu.memref_squeeze %dma_start3A_296 : memref<1x125x64xf32, #tpu.memory_space<vmem>> -> memref<125x64xf32, #tpu.memory_space<vmem>>
        %dma_start3A_298 = arith.constant 0 : i32
        %dma_start3A_299 = tpu.memref_slice %arg7[%add3A_277, %dma_start3A_298] : memref<160x125xi32, #tpu.memory_space<vmem>> -> memref<1x125xi32, #tpu.memory_space<vmem>>
        %dma_start3A_300 = tpu.memref_squeeze %dma_start3A_299 : memref<1x125xi32, #tpu.memory_space<vmem>> -> memref<125xi32, #tpu.memory_space<vmem>>
        %dma_start3A_301 = arith.constant 0 : i32
        %dma_start3A_302 = arith.constant 0 : i32
        %dma_start3A_303 = tpu.memref_slice %arg10[%dma_start3A_301, %dma_start3A_302] : memref<10000x64xf32, #tpu.memory_space<vmem_shared>> -> memref<10000x64xf32, #tpu.memory_space<vmem_shared>>
        %dma_start3A_304 = tpu.memref_slice %arg12[%dma_start3A_293] : memref<5x!tpu.dma_semaphore, #tpu.memory_space<semaphore_mem>> -> memref<1x!tpu.dma_semaphore, #tpu.memory_space<semaphore_mem>>
        %dma_start3A_305 = tpu.memref_squeeze %dma_start3A_304 : memref<1x!tpu.dma_semaphore, #tpu.memory_space<semaphore_mem>> -> memref<!tpu.dma_semaphore, #tpu.memory_space<semaphore_mem>>
        tpu.enqueue_indirect_dma source(%dma_start3A_297 : memref<125x64xf32, #tpu.memory_space<vmem>>) target(%dma_start3A_303 : memref<10000x64xf32, #tpu.memory_space<vmem_shared>>) offsets(%dma_start3A_300 : memref<125xi32, #tpu.memory_space<vmem>>) semaphore(%dma_start3A_305 : memref<!tpu.dma_semaphore, #tpu.memory_space<semaphore_mem>>) {add = true}
        %add3A_306 = arith.constant 0 : i32
        %add3A_307 = arith.addi %mul3A_155, %add3A_306 : i32
        %dma_wait3A_308 = arith.constant 0 : i32
        %dma_wait3A_309 = arith.constant 0 : i32
        %dma_wait3A_310 = arith.constant 0 : i32
        %dma_wait3A_311 = arith.constant 0 : i32
        %dma_wait3A_312 = tpu.memref_slice %arg8[%dma_wait3A_308, %dma_wait3A_310, %dma_wait3A_311] : memref<5x125x64xf32, #tpu.memory_space<vmem>> -> memref<1x125x64xf32, #tpu.memory_space<vmem>>
        %dma_wait3A_313 = tpu.memref_squeeze %dma_wait3A_312 : memref<1x125x64xf32, #tpu.memory_space<vmem>> -> memref<125x64xf32, #tpu.memory_space<vmem>>
        %dma_wait3A_314 = arith.constant 0 : i32
        %dma_wait3A_315 = tpu.memref_slice %arg7[%add3A_307, %dma_wait3A_314] : memref<160x125xi32, #tpu.memory_space<vmem>> -> memref<1x125xi32, #tpu.memory_space<vmem>>
        %dma_wait3A_316 = tpu.memref_squeeze %dma_wait3A_315 : memref<1x125xi32, #tpu.memory_space<vmem>> -> memref<125xi32, #tpu.memory_space<vmem>>
        %dma_wait3A_317 = arith.constant 0 : i32
        %dma_wait3A_318 = arith.constant 0 : i32
        %dma_wait3A_319 = tpu.memref_slice %arg10[%dma_wait3A_317, %dma_wait3A_318] : memref<10000x64xf32, #tpu.memory_space<vmem_shared>> -> memref<10000x64xf32, #tpu.memory_space<vmem_shared>>
        %dma_wait3A_320 = tpu.memref_slice %arg12[%dma_wait3A_309] : memref<5x!tpu.dma_semaphore, #tpu.memory_space<semaphore_mem>> -> memref<1x!tpu.dma_semaphore, #tpu.memory_space<semaphore_mem>>
        %dma_wait3A_321 = tpu.memref_squeeze %dma_wait3A_320 : memref<1x!tpu.dma_semaphore, #tpu.memory_space<semaphore_mem>> -> memref<!tpu.dma_semaphore, #tpu.memory_space<semaphore_mem>>
        tpu.wait_indirect_dma semaphore(%dma_wait3A_321 : memref<!tpu.dma_semaphore, #tpu.memory_space<semaphore_mem>>) src(%dma_wait3A_313 : memref<125x64xf32, #tpu.memory_space<vmem>>) dst(%dma_wait3A_319 : memref<10000x64xf32, #tpu.memory_space<vmem_shared>>)
        %add3A_322 = arith.constant 5 : i32
        %add3A_323 = arith.addi %add3A_307, %add3A_322 : i32
        %lt3A = arith.constant 160 : i32
        %lt3A_324 = arith.cmpi slt, %add3A_323, %lt3A : i32
        %convert_element_type3A_325 = arith.extui %lt3A_324 : i1 to i32
        %cond3A_326 = arith.constant 0 : i32
        %cond3A_327 = arith.cmpi ne, %convert_element_type3A_325, %cond3A_326 : i32
        scf.if %cond3A_327 {
          %add3A_420 = arith.constant 5 : i32
          %add3A_421 = arith.addi %add3A_307, %add3A_420 : i32
          %dma_start3A_422 = arith.constant 0 : i32
          %dma_start3A_423 = arith.constant 0 : i32
          %dma_start3A_424 = arith.constant 0 : i32
          %dma_start3A_425 = arith.constant 0 : i32
          %dma_start3A_426 = tpu.memref_slice %arg8[%dma_start3A_422, %dma_start3A_424, %dma_start3A_425] : memref<5x125x64xf32, #tpu.memory_space<vmem>> -> memref<1x125x64xf32, #tpu.memory_space<vmem>>
          %dma_start3A_427 = tpu.memref_squeeze %dma_start3A_426 : memref<1x125x64xf32, #tpu.memory_space<vmem>> -> memref<125x64xf32, #tpu.memory_space<vmem>>
          %dma_start3A_428 = arith.constant 0 : i32
          %dma_start3A_429 = tpu.memref_slice %arg6[%add3A_421, %dma_start3A_428] : memref<160x125xi32, #tpu.memory_space<vmem>> -> memref<1x125xi32, #tpu.memory_space<vmem>>
          %dma_start3A_430 = tpu.memref_squeeze %dma_start3A_429 : memref<1x125xi32, #tpu.memory_space<vmem>> -> memref<125xi32, #tpu.memory_space<vmem>>
          %dma_start3A_431 = arith.constant 0 : i32
          %dma_start3A_432 = arith.constant 0 : i32
          %dma_start3A_433 = tpu.memref_slice %arg2[%dma_start3A_431, %dma_start3A_432] : memref<10000x64xf32, #tpu.memory_space<hbm>> -> memref<10000x64xf32, #tpu.memory_space<hbm>>
          %dma_start3A_434 = tpu.memref_slice %arg11[%dma_start3A_423] : memref<5x!tpu.dma_semaphore, #tpu.memory_space<semaphore_mem>> -> memref<1x!tpu.dma_semaphore, #tpu.memory_space<semaphore_mem>>
          %dma_start3A_435 = tpu.memref_squeeze %dma_start3A_434 : memref<1x!tpu.dma_semaphore, #tpu.memory_space<semaphore_mem>> -> memref<!tpu.dma_semaphore, #tpu.memory_space<semaphore_mem>>
          tpu.enqueue_indirect_dma source(%dma_start3A_433 : memref<10000x64xf32, #tpu.memory_space<hbm>>) target(%dma_start3A_427 : memref<125x64xf32, #tpu.memory_space<vmem>>) offsets(%dma_start3A_430 : memref<125xi32, #tpu.memory_space<vmem>>) semaphore(%dma_start3A_435 : memref<!tpu.dma_semaphore, #tpu.memory_space<semaphore_mem>>)
        } else {
        }
        %add3A_328 = arith.constant 1 : i32
        %add3A_329 = arith.addi %mul3A_155, %add3A_328 : i32
        %dma_wait3A_330 = arith.constant 1 : i32
        %dma_wait3A_331 = arith.constant 1 : i32
        %dma_wait3A_332 = arith.constant 0 : i32
        %dma_wait3A_333 = arith.constant 0 : i32
        %dma_wait3A_334 = tpu.memref_slice %arg8[%dma_wait3A_330, %dma_wait3A_332, %dma_wait3A_333] : memref<5x125x64xf32, #tpu.memory_space<vmem>> -> memref<1x125x64xf32, #tpu.memory_space<vmem>>
        %dma_wait3A_335 = tpu.memref_squeeze %dma_wait3A_334 : memref<1x125x64xf32, #tpu.memory_space<vmem>> -> memref<125x64xf32, #tpu.memory_space<vmem>>
        %dma_wait3A_336 = arith.constant 0 : i32
        %dma_wait3A_337 = tpu.memref_slice %arg7[%add3A_329, %dma_wait3A_336] : memref<160x125xi32, #tpu.memory_space<vmem>> -> memref<1x125xi32, #tpu.memory_space<vmem>>
        %dma_wait3A_338 = tpu.memref_squeeze %dma_wait3A_337 : memref<1x125xi32, #tpu.memory_space<vmem>> -> memref<125xi32, #tpu.memory_space<vmem>>
        %dma_wait3A_339 = arith.constant 0 : i32
        %dma_wait3A_340 = arith.constant 0 : i32
        %dma_wait3A_341 = tpu.memref_slice %arg10[%dma_wait3A_339, %dma_wait3A_340] : memref<10000x64xf32, #tpu.memory_space<vmem_shared>> -> memref<10000x64xf32, #tpu.memory_space<vmem_shared>>
        %dma_wait3A_342 = tpu.memref_slice %arg12[%dma_wait3A_331] : memref<5x!tpu.dma_semaphore, #tpu.memory_space<semaphore_mem>> -> memref<1x!tpu.dma_semaphore, #tpu.memory_space<semaphore_mem>>
        %dma_wait3A_343 = tpu.memref_squeeze %dma_wait3A_342 : memref<1x!tpu.dma_semaphore, #tpu.memory_space<semaphore_mem>> -> memref<!tpu.dma_semaphore, #tpu.memory_space<semaphore_mem>>
        tpu.wait_indirect_dma semaphore(%dma_wait3A_343 : memref<!tpu.dma_semaphore, #tpu.memory_space<semaphore_mem>>) src(%dma_wait3A_335 : memref<125x64xf32, #tpu.memory_space<vmem>>) dst(%dma_wait3A_341 : memref<10000x64xf32, #tpu.memory_space<vmem_shared>>)
        %add3A_344 = arith.constant 5 : i32
        %add3A_345 = arith.addi %add3A_329, %add3A_344 : i32
        %lt3A_346 = arith.constant 160 : i32
        %lt3A_347 = arith.cmpi slt, %add3A_345, %lt3A_346 : i32
        %convert_element_type3A_348 = arith.extui %lt3A_347 : i1 to i32
        %cond3A_349 = arith.constant 0 : i32
        %cond3A_350 = arith.cmpi ne, %convert_element_type3A_348, %cond3A_349 : i32
        scf.if %cond3A_350 {
          %add3A_420 = arith.constant 5 : i32
          %add3A_421 = arith.addi %add3A_329, %add3A_420 : i32
          %dma_start3A_422 = arith.constant 1 : i32
          %dma_start3A_423 = arith.constant 1 : i32
          %dma_start3A_424 = arith.constant 0 : i32
          %dma_start3A_425 = arith.constant 0 : i32
          %dma_start3A_426 = tpu.memref_slice %arg8[%dma_start3A_422, %dma_start3A_424, %dma_start3A_425] : memref<5x125x64xf32, #tpu.memory_space<vmem>> -> memref<1x125x64xf32, #tpu.memory_space<vmem>>
          %dma_start3A_427 = tpu.memref_squeeze %dma_start3A_426 : memref<1x125x64xf32, #tpu.memory_space<vmem>> -> memref<125x64xf32, #tpu.memory_space<vmem>>
          %dma_start3A_428 = arith.constant 0 : i32
          %dma_start3A_429 = tpu.memref_slice %arg6[%add3A_421, %dma_start3A_428] : memref<160x125xi32, #tpu.memory_space<vmem>> -> memref<1x125xi32, #tpu.memory_space<vmem>>
          %dma_start3A_430 = tpu.memref_squeeze %dma_start3A_429 : memref<1x125xi32, #tpu.memory_space<vmem>> -> memref<125xi32, #tpu.memory_space<vmem>>
          %dma_start3A_431 = arith.constant 0 : i32
          %dma_start3A_432 = arith.constant 0 : i32
          %dma_start3A_433 = tpu.memref_slice %arg2[%dma_start3A_431, %dma_start3A_432] : memref<10000x64xf32, #tpu.memory_space<hbm>> -> memref<10000x64xf32, #tpu.memory_space<hbm>>
          %dma_start3A_434 = tpu.memref_slice %arg11[%dma_start3A_423] : memref<5x!tpu.dma_semaphore, #tpu.memory_space<semaphore_mem>> -> memref<1x!tpu.dma_semaphore, #tpu.memory_space<semaphore_mem>>
          %dma_start3A_435 = tpu.memref_squeeze %dma_start3A_434 : memref<1x!tpu.dma_semaphore, #tpu.memory_space<semaphore_mem>> -> memref<!tpu.dma_semaphore, #tpu.memory_space<semaphore_mem>>
          tpu.enqueue_indirect_dma source(%dma_start3A_433 : memref<10000x64xf32, #tpu.memory_space<hbm>>) target(%dma_start3A_427 : memref<125x64xf32, #tpu.memory_space<vmem>>) offsets(%dma_start3A_430 : memref<125xi32, #tpu.memory_space<vmem>>) semaphore(%dma_start3A_435 : memref<!tpu.dma_semaphore, #tpu.memory_space<semaphore_mem>>)
        } else {
        }
        %add3A_351 = arith.constant 2 : i32
        %add3A_352 = arith.addi %mul3A_155, %add3A_351 : i32
        %dma_wait3A_353 = arith.constant 2 : i32
        %dma_wait3A_354 = arith.constant 2 : i32
        %dma_wait3A_355 = arith.constant 0 : i32
        %dma_wait3A_356 = arith.constant 0 : i32
        %dma_wait3A_357 = tpu.memref_slice %arg8[%dma_wait3A_353, %dma_wait3A_355, %dma_wait3A_356] : memref<5x125x64xf32, #tpu.memory_space<vmem>> -> memref<1x125x64xf32, #tpu.memory_space<vmem>>
        %dma_wait3A_358 = tpu.memref_squeeze %dma_wait3A_357 : memref<1x125x64xf32, #tpu.memory_space<vmem>> -> memref<125x64xf32, #tpu.memory_space<vmem>>
        %dma_wait3A_359 = arith.constant 0 : i32
        %dma_wait3A_360 = tpu.memref_slice %arg7[%add3A_352, %dma_wait3A_359] : memref<160x125xi32, #tpu.memory_space<vmem>> -> memref<1x125xi32, #tpu.memory_space<vmem>>
        %dma_wait3A_361 = tpu.memref_squeeze %dma_wait3A_360 : memref<1x125xi32, #tpu.memory_space<vmem>> -> memref<125xi32, #tpu.memory_space<vmem>>
        %dma_wait3A_362 = arith.constant 0 : i32
        %dma_wait3A_363 = arith.constant 0 : i32
        %dma_wait3A_364 = tpu.memref_slice %arg10[%dma_wait3A_362, %dma_wait3A_363] : memref<10000x64xf32, #tpu.memory_space<vmem_shared>> -> memref<10000x64xf32, #tpu.memory_space<vmem_shared>>
        %dma_wait3A_365 = tpu.memref_slice %arg12[%dma_wait3A_354] : memref<5x!tpu.dma_semaphore, #tpu.memory_space<semaphore_mem>> -> memref<1x!tpu.dma_semaphore, #tpu.memory_space<semaphore_mem>>
        %dma_wait3A_366 = tpu.memref_squeeze %dma_wait3A_365 : memref<1x!tpu.dma_semaphore, #tpu.memory_space<semaphore_mem>> -> memref<!tpu.dma_semaphore, #tpu.memory_space<semaphore_mem>>
        tpu.wait_indirect_dma semaphore(%dma_wait3A_366 : memref<!tpu.dma_semaphore, #tpu.memory_space<semaphore_mem>>) src(%dma_wait3A_358 : memref<125x64xf32, #tpu.memory_space<vmem>>) dst(%dma_wait3A_364 : memref<10000x64xf32, #tpu.memory_space<vmem_shared>>)
        %add3A_367 = arith.constant 5 : i32
        %add3A_368 = arith.addi %add3A_352, %add3A_367 : i32
        %lt3A_369 = arith.constant 160 : i32
        %lt3A_370 = arith.cmpi slt, %add3A_368, %lt3A_369 : i32
        %convert_element_type3A_371 = arith.extui %lt3A_370 : i1 to i32
        %cond3A_372 = arith.constant 0 : i32
        %cond3A_373 = arith.cmpi ne, %convert_element_type3A_371, %cond3A_372 : i32
        scf.if %cond3A_373 {
          %add3A_420 = arith.constant 5 : i32
          %add3A_421 = arith.addi %add3A_352, %add3A_420 : i32
          %dma_start3A_422 = arith.constant 2 : i32
          %dma_start3A_423 = arith.constant 2 : i32
          %dma_start3A_424 = arith.constant 0 : i32
          %dma_start3A_425 = arith.constant 0 : i32
          %dma_start3A_426 = tpu.memref_slice %arg8[%dma_start3A_422, %dma_start3A_424, %dma_start3A_425] : memref<5x125x64xf32, #tpu.memory_space<vmem>> -> memref<1x125x64xf32, #tpu.memory_space<vmem>>
          %dma_start3A_427 = tpu.memref_squeeze %dma_start3A_426 : memref<1x125x64xf32, #tpu.memory_space<vmem>> -> memref<125x64xf32, #tpu.memory_space<vmem>>
          %dma_start3A_428 = arith.constant 0 : i32
          %dma_start3A_429 = tpu.memref_slice %arg6[%add3A_421, %dma_start3A_428] : memref<160x125xi32, #tpu.memory_space<vmem>> -> memref<1x125xi32, #tpu.memory_space<vmem>>
          %dma_start3A_430 = tpu.memref_squeeze %dma_start3A_429 : memref<1x125xi32, #tpu.memory_space<vmem>> -> memref<125xi32, #tpu.memory_space<vmem>>
          %dma_start3A_431 = arith.constant 0 : i32
          %dma_start3A_432 = arith.constant 0 : i32
          %dma_start3A_433 = tpu.memref_slice %arg2[%dma_start3A_431, %dma_start3A_432] : memref<10000x64xf32, #tpu.memory_space<hbm>> -> memref<10000x64xf32, #tpu.memory_space<hbm>>
          %dma_start3A_434 = tpu.memref_slice %arg11[%dma_start3A_423] : memref<5x!tpu.dma_semaphore, #tpu.memory_space<semaphore_mem>> -> memref<1x!tpu.dma_semaphore, #tpu.memory_space<semaphore_mem>>
          %dma_start3A_435 = tpu.memref_squeeze %dma_start3A_434 : memref<1x!tpu.dma_semaphore, #tpu.memory_space<semaphore_mem>> -> memref<!tpu.dma_semaphore, #tpu.memory_space<semaphore_mem>>
          tpu.enqueue_indirect_dma source(%dma_start3A_433 : memref<10000x64xf32, #tpu.memory_space<hbm>>) target(%dma_start3A_427 : memref<125x64xf32, #tpu.memory_space<vmem>>) offsets(%dma_start3A_430 : memref<125xi32, #tpu.memory_space<vmem>>) semaphore(%dma_start3A_435 : memref<!tpu.dma_semaphore, #tpu.memory_space<semaphore_mem>>)
        } else {
        }
        %add3A_374 = arith.constant 3 : i32
        %add3A_375 = arith.addi %mul3A_155, %add3A_374 : i32
        %dma_wait3A_376 = arith.constant 3 : i32
        %dma_wait3A_377 = arith.constant 3 : i32
        %dma_wait3A_378 = arith.constant 0 : i32
        %dma_wait3A_379 = arith.constant 0 : i32
        %dma_wait3A_380 = tpu.memref_slice %arg8[%dma_wait3A_376, %dma_wait3A_378, %dma_wait3A_379] : memref<5x125x64xf32, #tpu.memory_space<vmem>> -> memref<1x125x64xf32, #tpu.memory_space<vmem>>
        %dma_wait3A_381 = tpu.memref_squeeze %dma_wait3A_380 : memref<1x125x64xf32, #tpu.memory_space<vmem>> -> memref<125x64xf32, #tpu.memory_space<vmem>>
        %dma_wait3A_382 = arith.constant 0 : i32
        %dma_wait3A_383 = tpu.memref_slice %arg7[%add3A_375, %dma_wait3A_382] : memref<160x125xi32, #tpu.memory_space<vmem>> -> memref<1x125xi32, #tpu.memory_space<vmem>>
        %dma_wait3A_384 = tpu.memref_squeeze %dma_wait3A_383 : memref<1x125xi32, #tpu.memory_space<vmem>> -> memref<125xi32, #tpu.memory_space<vmem>>
        %dma_wait3A_385 = arith.constant 0 : i32
        %dma_wait3A_386 = arith.constant 0 : i32
        %dma_wait3A_387 = tpu.memref_slice %arg10[%dma_wait3A_385, %dma_wait3A_386] : memref<10000x64xf32, #tpu.memory_space<vmem_shared>> -> memref<10000x64xf32, #tpu.memory_space<vmem_shared>>
        %dma_wait3A_388 = tpu.memref_slice %arg12[%dma_wait3A_377] : memref<5x!tpu.dma_semaphore, #tpu.memory_space<semaphore_mem>> -> memref<1x!tpu.dma_semaphore, #tpu.memory_space<semaphore_mem>>
        %dma_wait3A_389 = tpu.memref_squeeze %dma_wait3A_388 : memref<1x!tpu.dma_semaphore, #tpu.memory_space<semaphore_mem>> -> memref<!tpu.dma_semaphore, #tpu.memory_space<semaphore_mem>>
        tpu.wait_indirect_dma semaphore(%dma_wait3A_389 : memref<!tpu.dma_semaphore, #tpu.memory_space<semaphore_mem>>) src(%dma_wait3A_381 : memref<125x64xf32, #tpu.memory_space<vmem>>) dst(%dma_wait3A_387 : memref<10000x64xf32, #tpu.memory_space<vmem_shared>>)
        %add3A_390 = arith.constant 5 : i32
        %add3A_391 = arith.addi %add3A_375, %add3A_390 : i32
        %lt3A_392 = arith.constant 160 : i32
        %lt3A_393 = arith.cmpi slt, %add3A_391, %lt3A_392 : i32
        %convert_element_type3A_394 = arith.extui %lt3A_393 : i1 to i32
        %cond3A_395 = arith.constant 0 : i32
        %cond3A_396 = arith.cmpi ne, %convert_element_type3A_394, %cond3A_395 : i32
        scf.if %cond3A_396 {
          %add3A_420 = arith.constant 5 : i32
          %add3A_421 = arith.addi %add3A_375, %add3A_420 : i32
          %dma_start3A_422 = arith.constant 3 : i32
          %dma_start3A_423 = arith.constant 3 : i32
          %dma_start3A_424 = arith.constant 0 : i32
          %dma_start3A_425 = arith.constant 0 : i32
          %dma_start3A_426 = tpu.memref_slice %arg8[%dma_start3A_422, %dma_start3A_424, %dma_start3A_425] : memref<5x125x64xf32, #tpu.memory_space<vmem>> -> memref<1x125x64xf32, #tpu.memory_space<vmem>>
          %dma_start3A_427 = tpu.memref_squeeze %dma_start3A_426 : memref<1x125x64xf32, #tpu.memory_space<vmem>> -> memref<125x64xf32, #tpu.memory_space<vmem>>
          %dma_start3A_428 = arith.constant 0 : i32
          %dma_start3A_429 = tpu.memref_slice %arg6[%add3A_421, %dma_start3A_428] : memref<160x125xi32, #tpu.memory_space<vmem>> -> memref<1x125xi32, #tpu.memory_space<vmem>>
          %dma_start3A_430 = tpu.memref_squeeze %dma_start3A_429 : memref<1x125xi32, #tpu.memory_space<vmem>> -> memref<125xi32, #tpu.memory_space<vmem>>
          %dma_start3A_431 = arith.constant 0 : i32
          %dma_start3A_432 = arith.constant 0 : i32
          %dma_start3A_433 = tpu.memref_slice %arg2[%dma_start3A_431, %dma_start3A_432] : memref<10000x64xf32, #tpu.memory_space<hbm>> -> memref<10000x64xf32, #tpu.memory_space<hbm>>
          %dma_start3A_434 = tpu.memref_slice %arg11[%dma_start3A_423] : memref<5x!tpu.dma_semaphore, #tpu.memory_space<semaphore_mem>> -> memref<1x!tpu.dma_semaphore, #tpu.memory_space<semaphore_mem>>
          %dma_start3A_435 = tpu.memref_squeeze %dma_start3A_434 : memref<1x!tpu.dma_semaphore, #tpu.memory_space<semaphore_mem>> -> memref<!tpu.dma_semaphore, #tpu.memory_space<semaphore_mem>>
          tpu.enqueue_indirect_dma source(%dma_start3A_433 : memref<10000x64xf32, #tpu.memory_space<hbm>>) target(%dma_start3A_427 : memref<125x64xf32, #tpu.memory_space<vmem>>) offsets(%dma_start3A_430 : memref<125xi32, #tpu.memory_space<vmem>>) semaphore(%dma_start3A_435 : memref<!tpu.dma_semaphore, #tpu.memory_space<semaphore_mem>>)
        } else {
        }
        %add3A_397 = arith.constant 4 : i32
        %add3A_398 = arith.addi %mul3A_155, %add3A_397 : i32
        %dma_wait3A_399 = arith.constant 4 : i32
        %dma_wait3A_400 = arith.constant 4 : i32
        %dma_wait3A_401 = arith.constant 0 : i32
        %dma_wait3A_402 = arith.constant 0 : i32
        %dma_wait3A_403 = tpu.memref_slice %arg8[%dma_wait3A_399, %dma_wait3A_401, %dma_wait3A_402] : memref<5x125x64xf32, #tpu.memory_space<vmem>> -> memref<1x125x64xf32, #tpu.memory_space<vmem>>
        %dma_wait3A_404 = tpu.memref_squeeze %dma_wait3A_403 : memref<1x125x64xf32, #tpu.memory_space<vmem>> -> memref<125x64xf32, #tpu.memory_space<vmem>>
        %dma_wait3A_405 = arith.constant 0 : i32
        %dma_wait3A_406 = tpu.memref_slice %arg7[%add3A_398, %dma_wait3A_405] : memref<160x125xi32, #tpu.memory_space<vmem>> -> memref<1x125xi32, #tpu.memory_space<vmem>>
        %dma_wait3A_407 = tpu.memref_squeeze %dma_wait3A_406 : memref<1x125xi32, #tpu.memory_space<vmem>> -> memref<125xi32, #tpu.memory_space<vmem>>
        %dma_wait3A_408 = arith.constant 0 : i32
        %dma_wait3A_409 = arith.constant 0 : i32
        %dma_wait3A_410 = tpu.memref_slice %arg10[%dma_wait3A_408, %dma_wait3A_409] : memref<10000x64xf32, #tpu.memory_space<vmem_shared>> -> memref<10000x64xf32, #tpu.memory_space<vmem_shared>>
        %dma_wait3A_411 = tpu.memref_slice %arg12[%dma_wait3A_400] : memref<5x!tpu.dma_semaphore, #tpu.memory_space<semaphore_mem>> -> memref<1x!tpu.dma_semaphore, #tpu.memory_space<semaphore_mem>>
        %dma_wait3A_412 = tpu.memref_squeeze %dma_wait3A_411 : memref<1x!tpu.dma_semaphore, #tpu.memory_space<semaphore_mem>> -> memref<!tpu.dma_semaphore, #tpu.memory_space<semaphore_mem>>
        tpu.wait_indirect_dma semaphore(%dma_wait3A_412 : memref<!tpu.dma_semaphore, #tpu.memory_space<semaphore_mem>>) src(%dma_wait3A_404 : memref<125x64xf32, #tpu.memory_space<vmem>>) dst(%dma_wait3A_410 : memref<10000x64xf32, #tpu.memory_space<vmem_shared>>)
        %add3A_413 = arith.constant 5 : i32
        %add3A_414 = arith.addi %add3A_398, %add3A_413 : i32
        %lt3A_415 = arith.constant 160 : i32
        %lt3A_416 = arith.cmpi slt, %add3A_414, %lt3A_415 : i32
        %convert_element_type3A_417 = arith.extui %lt3A_416 : i1 to i32
        %cond3A_418 = arith.constant 0 : i32
        %cond3A_419 = arith.cmpi ne, %convert_element_type3A_417, %cond3A_418 : i32
        scf.if %cond3A_419 {
          %add3A_420 = arith.constant 5 : i32
          %add3A_421 = arith.addi %add3A_398, %add3A_420 : i32
          %dma_start3A_422 = arith.constant 4 : i32
          %dma_start3A_423 = arith.constant 4 : i32
          %dma_start3A_424 = arith.constant 0 : i32
          %dma_start3A_425 = arith.constant 0 : i32
          %dma_start3A_426 = tpu.memref_slice %arg8[%dma_start3A_422, %dma_start3A_424, %dma_start3A_425] : memref<5x125x64xf32, #tpu.memory_space<vmem>> -> memref<1x125x64xf32, #tpu.memory_space<vmem>>
          %dma_start3A_427 = tpu.memref_squeeze %dma_start3A_426 : memref<1x125x64xf32, #tpu.memory_space<vmem>> -> memref<125x64xf32, #tpu.memory_space<vmem>>
          %dma_start3A_428 = arith.constant 0 : i32
          %dma_start3A_429 = tpu.memref_slice %arg6[%add3A_421, %dma_start3A_428] : memref<160x125xi32, #tpu.memory_space<vmem>> -> memref<1x125xi32, #tpu.memory_space<vmem>>
          %dma_start3A_430 = tpu.memref_squeeze %dma_start3A_429 : memref<1x125xi32, #tpu.memory_space<vmem>> -> memref<125xi32, #tpu.memory_space<vmem>>
          %dma_start3A_431 = arith.constant 0 : i32
          %dma_start3A_432 = arith.constant 0 : i32
          %dma_start3A_433 = tpu.memref_slice %arg2[%dma_start3A_431, %dma_start3A_432] : memref<10000x64xf32, #tpu.memory_space<hbm>> -> memref<10000x64xf32, #tpu.memory_space<hbm>>
          %dma_start3A_434 = tpu.memref_slice %arg11[%dma_start3A_423] : memref<5x!tpu.dma_semaphore, #tpu.memory_space<semaphore_mem>> -> memref<1x!tpu.dma_semaphore, #tpu.memory_space<semaphore_mem>>
          %dma_start3A_435 = tpu.memref_squeeze %dma_start3A_434 : memref<1x!tpu.dma_semaphore, #tpu.memory_space<semaphore_mem>> -> memref<!tpu.dma_semaphore, #tpu.memory_space<semaphore_mem>>
          tpu.enqueue_indirect_dma source(%dma_start3A_433 : memref<10000x64xf32, #tpu.memory_space<hbm>>) target(%dma_start3A_427 : memref<125x64xf32, #tpu.memory_space<vmem>>) offsets(%dma_start3A_430 : memref<125xi32, #tpu.memory_space<vmem>>) semaphore(%dma_start3A_435 : memref<!tpu.dma_semaphore, #tpu.memory_space<semaphore_mem>>)
        } else {
        }
      }
      %scan3A_149 = arith.constant 32 : i32
    } else {
    }
    %eq3A_64 = arith.constant 1 : i32
    %eq3A_65 = arith.cmpi eq, %arg0, %eq3A_64 : i32
    %convert_element_type3A_66 = arith.extui %eq3A_65 : i1 to i32
    %cond3A_67 = arith.constant 0 : i32
    %cond3A_68 = arith.cmpi ne, %convert_element_type3A_66, %cond3A_67 : i32
    scf.if %cond3A_68 {
      %dma_start3A_70 = arith.constant 0 : i32
      %dma_start3A_71 = arith.constant 0 : i32
      %dma_start3A_72 = arith.constant 0 : i32
      %dma_start3A_73 = arith.constant 0 : i32
      %dma_start3A_74 = arith.constant 0 : i32
      %dma_start3A_75 = tpu.memref_slice %arg8[%dma_start3A_71, %dma_start3A_73, %dma_start3A_74] : memref<5x125x64xf32, #tpu.memory_space<vmem>> -> memref<1x125x64xf32, #tpu.memory_space<vmem>>
      %dma_start3A_76 = tpu.memref_squeeze %dma_start3A_75 : memref<1x125x64xf32, #tpu.memory_space<vmem>> -> memref<125x64xf32, #tpu.memory_space<vmem>>
      %dma_start3A_77 = arith.constant 0 : i32
      %dma_start3A_78 = tpu.memref_slice %arg6[%dma_start3A_70, %dma_start3A_77] : memref<160x125xi32, #tpu.memory_space<vmem>> -> memref<1x125xi32, #tpu.memory_space<vmem>>
      %dma_start3A_79 = tpu.memref_squeeze %dma_start3A_78 : memref<1x125xi32, #tpu.memory_space<vmem>> -> memref<125xi32, #tpu.memory_space<vmem>>
      %dma_start3A_80 = arith.constant 0 : i32
      %dma_start3A_81 = arith.constant 0 : i32
      %dma_start3A_82 = tpu.memref_slice %arg3[%dma_start3A_80, %dma_start3A_81] : memref<10000x64xf32, #tpu.memory_space<hbm>> -> memref<10000x64xf32, #tpu.memory_space<hbm>>
      %dma_start3A_83 = tpu.memref_slice %arg11[%dma_start3A_72] : memref<5x!tpu.dma_semaphore, #tpu.memory_space<semaphore_mem>> -> memref<1x!tpu.dma_semaphore, #tpu.memory_space<semaphore_mem>>
      %dma_start3A_84 = tpu.memref_squeeze %dma_start3A_83 : memref<1x!tpu.dma_semaphore, #tpu.memory_space<semaphore_mem>> -> memref<!tpu.dma_semaphore, #tpu.memory_space<semaphore_mem>>
      tpu.enqueue_indirect_dma source(%dma_start3A_82 : memref<10000x64xf32, #tpu.memory_space<hbm>>) target(%dma_start3A_76 : memref<125x64xf32, #tpu.memory_space<vmem>>) offsets(%dma_start3A_79 : memref<125xi32, #tpu.memory_space<vmem>>) semaphore(%dma_start3A_84 : memref<!tpu.dma_semaphore, #tpu.memory_space<semaphore_mem>>)
      %dma_start3A_85 = arith.constant 1 : i32
      %dma_start3A_86 = arith.constant 1 : i32
      %dma_start3A_87 = arith.constant 1 : i32
      %dma_start3A_88 = arith.constant 0 : i32
      %dma_start3A_89 = arith.constant 0 : i32
      %dma_start3A_90 = tpu.memref_slice %arg8[%dma_start3A_86, %dma_start3A_88, %dma_start3A_89] : memref<5x125x64xf32, #tpu.memory_space<vmem>> -> memref<1x125x64xf32, #tpu.memory_space<vmem>>
      %dma_start3A_91 = tpu.memref_squeeze %dma_start3A_90 : memref<1x125x64xf32, #tpu.memory_space<vmem>> -> memref<125x64xf32, #tpu.memory_space<vmem>>
      %dma_start3A_92 = arith.constant 0 : i32
      %dma_start3A_93 = tpu.memref_slice %arg6[%dma_start3A_85, %dma_start3A_92] : memref<160x125xi32, #tpu.memory_space<vmem>> -> memref<1x125xi32, #tpu.memory_space<vmem>>
      %dma_start3A_94 = tpu.memref_squeeze %dma_start3A_93 : memref<1x125xi32, #tpu.memory_space<vmem>> -> memref<125xi32, #tpu.memory_space<vmem>>
      %dma_start3A_95 = arith.constant 0 : i32
      %dma_start3A_96 = arith.constant 0 : i32
      %dma_start3A_97 = tpu.memref_slice %arg3[%dma_start3A_95, %dma_start3A_96] : memref<10000x64xf32, #tpu.memory_space<hbm>> -> memref<10000x64xf32, #tpu.memory_space<hbm>>
      %dma_start3A_98 = tpu.memref_slice %arg11[%dma_start3A_87] : memref<5x!tpu.dma_semaphore, #tpu.memory_space<semaphore_mem>> -> memref<1x!tpu.dma_semaphore, #tpu.memory_space<semaphore_mem>>
      %dma_start3A_99 = tpu.memref_squeeze %dma_start3A_98 : memref<1x!tpu.dma_semaphore, #tpu.memory_space<semaphore_mem>> -> memref<!tpu.dma_semaphore, #tpu.memory_space<semaphore_mem>>
      tpu.enqueue_indirect_dma source(%dma_start3A_97 : memref<10000x64xf32, #tpu.memory_space<hbm>>) target(%dma_start3A_91 : memref<125x64xf32, #tpu.memory_space<vmem>>) offsets(%dma_start3A_94 : memref<125xi32, #tpu.memory_space<vmem>>) semaphore(%dma_start3A_99 : memref<!tpu.dma_semaphore, #tpu.memory_space<semaphore_mem>>)
      %dma_start3A_100 = arith.constant 2 : i32
      %dma_start3A_101 = arith.constant 2 : i32
      %dma_start3A_102 = arith.constant 2 : i32
      %dma_start3A_103 = arith.constant 0 : i32
      %dma_start3A_104 = arith.constant 0 : i32
      %dma_start3A_105 = tpu.memref_slice %arg8[%dma_start3A_101, %dma_start3A_103, %dma_start3A_104] : memref<5x125x64xf32, #tpu.memory_space<vmem>> -> memref<1x125x64xf32, #tpu.memory_space<vmem>>
      %dma_start3A_106 = tpu.memref_squeeze %dma_start3A_105 : memref<1x125x64xf32, #tpu.memory_space<vmem>> -> memref<125x64xf32, #tpu.memory_space<vmem>>
      %dma_start3A_107 = arith.constant 0 : i32
      %dma_start3A_108 = tpu.memref_slice %arg6[%dma_start3A_100, %dma_start3A_107] : memref<160x125xi32, #tpu.memory_space<vmem>> -> memref<1x125xi32, #tpu.memory_space<vmem>>
      %dma_start3A_109 = tpu.memref_squeeze %dma_start3A_108 : memref<1x125xi32, #tpu.memory_space<vmem>> -> memref<125xi32, #tpu.memory_space<vmem>>
      %dma_start3A_110 = arith.constant 0 : i32
      %dma_start3A_111 = arith.constant 0 : i32
      %dma_start3A_112 = tpu.memref_slice %arg3[%dma_start3A_110, %dma_start3A_111] : memref<10000x64xf32, #tpu.memory_space<hbm>> -> memref<10000x64xf32, #tpu.memory_space<hbm>>
      %dma_start3A_113 = tpu.memref_slice %arg11[%dma_start3A_102] : memref<5x!tpu.dma_semaphore, #tpu.memory_space<semaphore_mem>> -> memref<1x!tpu.dma_semaphore, #tpu.memory_space<semaphore_mem>>
      %dma_start3A_114 = tpu.memref_squeeze %dma_start3A_113 : memref<1x!tpu.dma_semaphore, #tpu.memory_space<semaphore_mem>> -> memref<!tpu.dma_semaphore, #tpu.memory_space<semaphore_mem>>
      tpu.enqueue_indirect_dma source(%dma_start3A_112 : memref<10000x64xf32, #tpu.memory_space<hbm>>) target(%dma_start3A_106 : memref<125x64xf32, #tpu.memory_space<vmem>>) offsets(%dma_start3A_109 : memref<125xi32, #tpu.memory_space<vmem>>) semaphore(%dma_start3A_114 : memref<!tpu.dma_semaphore, #tpu.memory_space<semaphore_mem>>)
      %dma_start3A_115 = arith.constant 3 : i32
      %dma_start3A_116 = arith.constant 3 : i32
      %dma_start3A_117 = arith.constant 3 : i32
      %dma_start3A_118 = arith.constant 0 : i32
      %dma_start3A_119 = arith.constant 0 : i32
      %dma_start3A_120 = tpu.memref_slice %arg8[%dma_start3A_116, %dma_start3A_118, %dma_start3A_119] : memref<5x125x64xf32, #tpu.memory_space<vmem>> -> memref<1x125x64xf32, #tpu.memory_space<vmem>>
      %dma_start3A_121 = tpu.memref_squeeze %dma_start3A_120 : memref<1x125x64xf32, #tpu.memory_space<vmem>> -> memref<125x64xf32, #tpu.memory_space<vmem>>
      %dma_start3A_122 = arith.constant 0 : i32
      %dma_start3A_123 = tpu.memref_slice %arg6[%dma_start3A_115, %dma_start3A_122] : memref<160x125xi32, #tpu.memory_space<vmem>> -> memref<1x125xi32, #tpu.memory_space<vmem>>
      %dma_start3A_124 = tpu.memref_squeeze %dma_start3A_123 : memref<1x125xi32, #tpu.memory_space<vmem>> -> memref<125xi32, #tpu.memory_space<vmem>>
      %dma_start3A_125 = arith.constant 0 : i32
      %dma_start3A_126 = arith.constant 0 : i32
      %dma_start3A_127 = tpu.memref_slice %arg3[%dma_start3A_125, %dma_start3A_126] : memref<10000x64xf32, #tpu.memory_space<hbm>> -> memref<10000x64xf32, #tpu.memory_space<hbm>>
      %dma_start3A_128 = tpu.memref_slice %arg11[%dma_start3A_117] : memref<5x!tpu.dma_semaphore, #tpu.memory_space<semaphore_mem>> -> memref<1x!tpu.dma_semaphore, #tpu.memory_space<semaphore_mem>>
      %dma_start3A_129 = tpu.memref_squeeze %dma_start3A_128 : memref<1x!tpu.dma_semaphore, #tpu.memory_space<semaphore_mem>> -> memref<!tpu.dma_semaphore, #tpu.memory_space<semaphore_mem>>
      tpu.enqueue_indirect_dma source(%dma_start3A_127 : memref<10000x64xf32, #tpu.memory_space<hbm>>) target(%dma_start3A_121 : memref<125x64xf32, #tpu.memory_space<vmem>>) offsets(%dma_start3A_124 : memref<125xi32, #tpu.memory_space<vmem>>) semaphore(%dma_start3A_129 : memref<!tpu.dma_semaphore, #tpu.memory_space<semaphore_mem>>)
      %dma_start3A_130 = arith.constant 4 : i32
      %dma_start3A_131 = arith.constant 4 : i32
      %dma_start3A_132 = arith.constant 4 : i32
      %dma_start3A_133 = arith.constant 0 : i32
      %dma_start3A_134 = arith.constant 0 : i32
      %dma_start3A_135 = tpu.memref_slice %arg8[%dma_start3A_131, %dma_start3A_133, %dma_start3A_134] : memref<5x125x64xf32, #tpu.memory_space<vmem>> -> memref<1x125x64xf32, #tpu.memory_space<vmem>>
      %dma_start3A_136 = tpu.memref_squeeze %dma_start3A_135 : memref<1x125x64xf32, #tpu.memory_space<vmem>> -> memref<125x64xf32, #tpu.memory_space<vmem>>
      %dma_start3A_137 = arith.constant 0 : i32
      %dma_start3A_138 = tpu.memref_slice %arg6[%dma_start3A_130, %dma_start3A_137] : memref<160x125xi32, #tpu.memory_space<vmem>> -> memref<1x125xi32, #tpu.memory_space<vmem>>
      %dma_start3A_139 = tpu.memref_squeeze %dma_start3A_138 : memref<1x125xi32, #tpu.memory_space<vmem>> -> memref<125xi32, #tpu.memory_space<vmem>>
      %dma_start3A_140 = arith.constant 0 : i32
      %dma_start3A_141 = arith.constant 0 : i32
      %dma_start3A_142 = tpu.memref_slice %arg3[%dma_start3A_140, %dma_start3A_141] : memref<10000x64xf32, #tpu.memory_space<hbm>> -> memref<10000x64xf32, #tpu.memory_space<hbm>>
      %dma_start3A_143 = tpu.memref_slice %arg11[%dma_start3A_132] : memref<5x!tpu.dma_semaphore, #tpu.memory_space<semaphore_mem>> -> memref<1x!tpu.dma_semaphore, #tpu.memory_space<semaphore_mem>>
      %dma_start3A_144 = tpu.memref_squeeze %dma_start3A_143 : memref<1x!tpu.dma_semaphore, #tpu.memory_space<semaphore_mem>> -> memref<!tpu.dma_semaphore, #tpu.memory_space<semaphore_mem>>
      tpu.enqueue_indirect_dma source(%dma_start3A_142 : memref<10000x64xf32, #tpu.memory_space<hbm>>) target(%dma_start3A_136 : memref<125x64xf32, #tpu.memory_space<vmem>>) offsets(%dma_start3A_139 : memref<125xi32, #tpu.memory_space<vmem>>) semaphore(%dma_start3A_144 : memref<!tpu.dma_semaphore, #tpu.memory_space<semaphore_mem>>)
      %scan3A_145 = arith.constant 0 : i32
      %scan3A_146 = arith.constant 32 : i32
      %scan3A_147 = arith.addi %scan3A_145, %scan3A_146 : i32
      %scan3A_148 = arith.constant 1 : i32
      scf.for %scan3A_150 = %scan3A_145 to %scan3A_147 step %scan3A_148  : i32 {
        %mul3A_151 = arith.constant 1 : i32
        %mul3A_152 = arith.muli %scan3A_150, %mul3A_151 : i32
        %add3A = arith.constant 0 : i32
        %add3A_153 = arith.addi %add3A, %mul3A_152 : i32
        %mul3A_154 = arith.constant 5 : i32
        %mul3A_155 = arith.muli %add3A_153, %mul3A_154 : i32
        %add3A_156 = arith.constant 0 : i32
        %add3A_157 = arith.addi %mul3A_155, %add3A_156 : i32
        %dma_wait3A_158 = arith.constant 0 : i32
        %dma_wait3A_159 = arith.constant 0 : i32
        %dma_wait3A_160 = arith.constant 0 : i32
        %dma_wait3A_161 = arith.constant 0 : i32
        %dma_wait3A_162 = tpu.memref_slice %arg8[%dma_wait3A_158, %dma_wait3A_160, %dma_wait3A_161] : memref<5x125x64xf32, #tpu.memory_space<vmem>> -> memref<1x125x64xf32, #tpu.memory_space<vmem>>
        %dma_wait3A_163 = tpu.memref_squeeze %dma_wait3A_162 : memref<1x125x64xf32, #tpu.memory_space<vmem>> -> memref<125x64xf32, #tpu.memory_space<vmem>>
        %dma_wait3A_164 = arith.constant 0 : i32
        %dma_wait3A_165 = tpu.memref_slice %arg6[%add3A_157, %dma_wait3A_164] : memref<160x125xi32, #tpu.memory_space<vmem>> -> memref<1x125xi32, #tpu.memory_space<vmem>>
        %dma_wait3A_166 = tpu.memref_squeeze %dma_wait3A_165 : memref<1x125xi32, #tpu.memory_space<vmem>> -> memref<125xi32, #tpu.memory_space<vmem>>
        %dma_wait3A_167 = arith.constant 0 : i32
        %dma_wait3A_168 = arith.constant 0 : i32
        %dma_wait3A_169 = tpu.memref_slice %arg3[%dma_wait3A_167, %dma_wait3A_168] : memref<10000x64xf32, #tpu.memory_space<hbm>> -> memref<10000x64xf32, #tpu.memory_space<hbm>>
        %dma_wait3A_170 = tpu.memref_slice %arg11[%dma_wait3A_159] : memref<5x!tpu.dma_semaphore, #tpu.memory_space<semaphore_mem>> -> memref<1x!tpu.dma_semaphore, #tpu.memory_space<semaphore_mem>>
        %dma_wait3A_171 = tpu.memref_squeeze %dma_wait3A_170 : memref<1x!tpu.dma_semaphore, #tpu.memory_space<semaphore_mem>> -> memref<!tpu.dma_semaphore, #tpu.memory_space<semaphore_mem>>
        tpu.wait_indirect_dma semaphore(%dma_wait3A_171 : memref<!tpu.dma_semaphore, #tpu.memory_space<semaphore_mem>>) src(%dma_wait3A_169 : memref<10000x64xf32, #tpu.memory_space<hbm>>) dst(%dma_wait3A_163 : memref<125x64xf32, #tpu.memory_space<vmem>>)
        %dma_start3A_172 = arith.constant 0 : i32
        %dma_start3A_173 = arith.constant 0 : i32
        %dma_start3A_174 = arith.constant 0 : i32
        %dma_start3A_175 = arith.constant 0 : i32
        %dma_start3A_176 = tpu.memref_slice %arg8[%dma_start3A_172, %dma_start3A_174, %dma_start3A_175] : memref<5x125x64xf32, #tpu.memory_space<vmem>> -> memref<1x125x64xf32, #tpu.memory_space<vmem>>
        %dma_start3A_177 = tpu.memref_squeeze %dma_start3A_176 : memref<1x125x64xf32, #tpu.memory_space<vmem>> -> memref<125x64xf32, #tpu.memory_space<vmem>>
        %dma_start3A_178 = arith.constant 0 : i32
        %dma_start3A_179 = tpu.memref_slice %arg7[%add3A_157, %dma_start3A_178] : memref<160x125xi32, #tpu.memory_space<vmem>> -> memref<1x125xi32, #tpu.memory_space<vmem>>
        %dma_start3A_180 = tpu.memref_squeeze %dma_start3A_179 : memref<1x125xi32, #tpu.memory_space<vmem>> -> memref<125xi32, #tpu.memory_space<vmem>>
        %dma_start3A_181 = arith.constant 0 : i32
        %dma_start3A_182 = arith.constant 0 : i32
        %dma_start3A_183 = tpu.memref_slice %arg10[%dma_start3A_181, %dma_start3A_182] : memref<10000x64xf32, #tpu.memory_space<vmem_shared>> -> memref<10000x64xf32, #tpu.memory_space<vmem_shared>>
        %dma_start3A_184 = tpu.memref_slice %arg12[%dma_start3A_173] : memref<5x!tpu.dma_semaphore, #tpu.memory_space<semaphore_mem>> -> memref<1x!tpu.dma_semaphore, #tpu.memory_space<semaphore_mem>>
        %dma_start3A_185 = tpu.memref_squeeze %dma_start3A_184 : memref<1x!tpu.dma_semaphore, #tpu.memory_space<semaphore_mem>> -> memref<!tpu.dma_semaphore, #tpu.memory_space<semaphore_mem>>
        tpu.enqueue_indirect_dma source(%dma_start3A_177 : memref<125x64xf32, #tpu.memory_space<vmem>>) target(%dma_start3A_183 : memref<10000x64xf32, #tpu.memory_space<vmem_shared>>) offsets(%dma_start3A_180 : memref<125xi32, #tpu.memory_space<vmem>>) semaphore(%dma_start3A_185 : memref<!tpu.dma_semaphore, #tpu.memory_space<semaphore_mem>>) {add = true}
        %add3A_186 = arith.constant 1 : i32
        %add3A_187 = arith.addi %mul3A_155, %add3A_186 : i32
        %dma_wait3A_188 = arith.constant 1 : i32
        %dma_wait3A_189 = arith.constant 1 : i32
        %dma_wait3A_190 = arith.constant 0 : i32
        %dma_wait3A_191 = arith.constant 0 : i32
        %dma_wait3A_192 = tpu.memref_slice %arg8[%dma_wait3A_188, %dma_wait3A_190, %dma_wait3A_191] : memref<5x125x64xf32, #tpu.memory_space<vmem>> -> memref<1x125x64xf32, #tpu.memory_space<vmem>>
        %dma_wait3A_193 = tpu.memref_squeeze %dma_wait3A_192 : memref<1x125x64xf32, #tpu.memory_space<vmem>> -> memref<125x64xf32, #tpu.memory_space<vmem>>
        %dma_wait3A_194 = arith.constant 0 : i32
        %dma_wait3A_195 = tpu.memref_slice %arg6[%add3A_187, %dma_wait3A_194] : memref<160x125xi32, #tpu.memory_space<vmem>> -> memref<1x125xi32, #tpu.memory_space<vmem>>
        %dma_wait3A_196 = tpu.memref_squeeze %dma_wait3A_195 : memref<1x125xi32, #tpu.memory_space<vmem>> -> memref<125xi32, #tpu.memory_space<vmem>>
        %dma_wait3A_197 = arith.constant 0 : i32
        %dma_wait3A_198 = arith.constant 0 : i32
        %dma_wait3A_199 = tpu.memref_slice %arg3[%dma_wait3A_197, %dma_wait3A_198] : memref<10000x64xf32, #tpu.memory_space<hbm>> -> memref<10000x64xf32, #tpu.memory_space<hbm>>
        %dma_wait3A_200 = tpu.memref_slice %arg11[%dma_wait3A_189] : memref<5x!tpu.dma_semaphore, #tpu.memory_space<semaphore_mem>> -> memref<1x!tpu.dma_semaphore, #tpu.memory_space<semaphore_mem>>
        %dma_wait3A_201 = tpu.memref_squeeze %dma_wait3A_200 : memref<1x!tpu.dma_semaphore, #tpu.memory_space<semaphore_mem>> -> memref<!tpu.dma_semaphore, #tpu.memory_space<semaphore_mem>>
        tpu.wait_indirect_dma semaphore(%dma_wait3A_201 : memref<!tpu.dma_semaphore, #tpu.memory_space<semaphore_mem>>) src(%dma_wait3A_199 : memref<10000x64xf32, #tpu.memory_space<hbm>>) dst(%dma_wait3A_193 : memref<125x64xf32, #tpu.memory_space<vmem>>)
        %dma_start3A_202 = arith.constant 1 : i32
        %dma_start3A_203 = arith.constant 1 : i32
        %dma_start3A_204 = arith.constant 0 : i32
        %dma_start3A_205 = arith.constant 0 : i32
        %dma_start3A_206 = tpu.memref_slice %arg8[%dma_start3A_202, %dma_start3A_204, %dma_start3A_205] : memref<5x125x64xf32, #tpu.memory_space<vmem>> -> memref<1x125x64xf32, #tpu.memory_space<vmem>>
        %dma_start3A_207 = tpu.memref_squeeze %dma_start3A_206 : memref<1x125x64xf32, #tpu.memory_space<vmem>> -> memref<125x64xf32, #tpu.memory_space<vmem>>
        %dma_start3A_208 = arith.constant 0 : i32
        %dma_start3A_209 = tpu.memref_slice %arg7[%add3A_187, %dma_start3A_208] : memref<160x125xi32, #tpu.memory_space<vmem>> -> memref<1x125xi32, #tpu.memory_space<vmem>>
        %dma_start3A_210 = tpu.memref_squeeze %dma_start3A_209 : memref<1x125xi32, #tpu.memory_space<vmem>> -> memref<125xi32, #tpu.memory_space<vmem>>
        %dma_start3A_211 = arith.constant 0 : i32
        %dma_start3A_212 = arith.constant 0 : i32
        %dma_start3A_213 = tpu.memref_slice %arg10[%dma_start3A_211, %dma_start3A_212] : memref<10000x64xf32, #tpu.memory_space<vmem_shared>> -> memref<10000x64xf32, #tpu.memory_space<vmem_shared>>
        %dma_start3A_214 = tpu.memref_slice %arg12[%dma_start3A_203] : memref<5x!tpu.dma_semaphore, #tpu.memory_space<semaphore_mem>> -> memref<1x!tpu.dma_semaphore, #tpu.memory_space<semaphore_mem>>
        %dma_start3A_215 = tpu.memref_squeeze %dma_start3A_214 : memref<1x!tpu.dma_semaphore, #tpu.memory_space<semaphore_mem>> -> memref<!tpu.dma_semaphore, #tpu.memory_space<semaphore_mem>>
        tpu.enqueue_indirect_dma source(%dma_start3A_207 : memref<125x64xf32, #tpu.memory_space<vmem>>) target(%dma_start3A_213 : memref<10000x64xf32, #tpu.memory_space<vmem_shared>>) offsets(%dma_start3A_210 : memref<125xi32, #tpu.memory_space<vmem>>) semaphore(%dma_start3A_215 : memref<!tpu.dma_semaphore, #tpu.memory_space<semaphore_mem>>) {add = true}
        %add3A_216 = arith.constant 2 : i32
        %add3A_217 = arith.addi %mul3A_155, %add3A_216 : i32
        %dma_wait3A_218 = arith.constant 2 : i32
        %dma_wait3A_219 = arith.constant 2 : i32
        %dma_wait3A_220 = arith.constant 0 : i32
        %dma_wait3A_221 = arith.constant 0 : i32
        %dma_wait3A_222 = tpu.memref_slice %arg8[%dma_wait3A_218, %dma_wait3A_220, %dma_wait3A_221] : memref<5x125x64xf32, #tpu.memory_space<vmem>> -> memref<1x125x64xf32, #tpu.memory_space<vmem>>
        %dma_wait3A_223 = tpu.memref_squeeze %dma_wait3A_222 : memref<1x125x64xf32, #tpu.memory_space<vmem>> -> memref<125x64xf32, #tpu.memory_space<vmem>>
        %dma_wait3A_224 = arith.constant 0 : i32
        %dma_wait3A_225 = tpu.memref_slice %arg6[%add3A_217, %dma_wait3A_224] : memref<160x125xi32, #tpu.memory_space<vmem>> -> memref<1x125xi32, #tpu.memory_space<vmem>>
        %dma_wait3A_226 = tpu.memref_squeeze %dma_wait3A_225 : memref<1x125xi32, #tpu.memory_space<vmem>> -> memref<125xi32, #tpu.memory_space<vmem>>
        %dma_wait3A_227 = arith.constant 0 : i32
        %dma_wait3A_228 = arith.constant 0 : i32
        %dma_wait3A_229 = tpu.memref_slice %arg3[%dma_wait3A_227, %dma_wait3A_228] : memref<10000x64xf32, #tpu.memory_space<hbm>> -> memref<10000x64xf32, #tpu.memory_space<hbm>>
        %dma_wait3A_230 = tpu.memref_slice %arg11[%dma_wait3A_219] : memref<5x!tpu.dma_semaphore, #tpu.memory_space<semaphore_mem>> -> memref<1x!tpu.dma_semaphore, #tpu.memory_space<semaphore_mem>>
        %dma_wait3A_231 = tpu.memref_squeeze %dma_wait3A_230 : memref<1x!tpu.dma_semaphore, #tpu.memory_space<semaphore_mem>> -> memref<!tpu.dma_semaphore, #tpu.memory_space<semaphore_mem>>
        tpu.wait_indirect_dma semaphore(%dma_wait3A_231 : memref<!tpu.dma_semaphore, #tpu.memory_space<semaphore_mem>>) src(%dma_wait3A_229 : memref<10000x64xf32, #tpu.memory_space<hbm>>) dst(%dma_wait3A_223 : memref<125x64xf32, #tpu.memory_space<vmem>>)
        %dma_start3A_232 = arith.constant 2 : i32
        %dma_start3A_233 = arith.constant 2 : i32
        %dma_start3A_234 = arith.constant 0 : i32
        %dma_start3A_235 = arith.constant 0 : i32
        %dma_start3A_236 = tpu.memref_slice %arg8[%dma_start3A_232, %dma_start3A_234, %dma_start3A_235] : memref<5x125x64xf32, #tpu.memory_space<vmem>> -> memref<1x125x64xf32, #tpu.memory_space<vmem>>
        %dma_start3A_237 = tpu.memref_squeeze %dma_start3A_236 : memref<1x125x64xf32, #tpu.memory_space<vmem>> -> memref<125x64xf32, #tpu.memory_space<vmem>>
        %dma_start3A_238 = arith.constant 0 : i32
        %dma_start3A_239 = tpu.memref_slice %arg7[%add3A_217, %dma_start3A_238] : memref<160x125xi32, #tpu.memory_space<vmem>> -> memref<1x125xi32, #tpu.memory_space<vmem>>
        %dma_start3A_240 = tpu.memref_squeeze %dma_start3A_239 : memref<1x125xi32, #tpu.memory_space<vmem>> -> memref<125xi32, #tpu.memory_space<vmem>>
        %dma_start3A_241 = arith.constant 0 : i32
        %dma_start3A_242 = arith.constant 0 : i32
        %dma_start3A_243 = tpu.memref_slice %arg10[%dma_start3A_241, %dma_start3A_242] : memref<10000x64xf32, #tpu.memory_space<vmem_shared>> -> memref<10000x64xf32, #tpu.memory_space<vmem_shared>>
        %dma_start3A_244 = tpu.memref_slice %arg12[%dma_start3A_233] : memref<5x!tpu.dma_semaphore, #tpu.memory_space<semaphore_mem>> -> memref<1x!tpu.dma_semaphore, #tpu.memory_space<semaphore_mem>>
        %dma_start3A_245 = tpu.memref_squeeze %dma_start3A_244 : memref<1x!tpu.dma_semaphore, #tpu.memory_space<semaphore_mem>> -> memref<!tpu.dma_semaphore, #tpu.memory_space<semaphore_mem>>
        tpu.enqueue_indirect_dma source(%dma_start3A_237 : memref<125x64xf32, #tpu.memory_space<vmem>>) target(%dma_start3A_243 : memref<10000x64xf32, #tpu.memory_space<vmem_shared>>) offsets(%dma_start3A_240 : memref<125xi32, #tpu.memory_space<vmem>>) semaphore(%dma_start3A_245 : memref<!tpu.dma_semaphore, #tpu.memory_space<semaphore_mem>>) {add = true}
        %add3A_246 = arith.constant 3 : i32
        %add3A_247 = arith.addi %mul3A_155, %add3A_246 : i32
        %dma_wait3A_248 = arith.constant 3 : i32
        %dma_wait3A_249 = arith.constant 3 : i32
        %dma_wait3A_250 = arith.constant 0 : i32
        %dma_wait3A_251 = arith.constant 0 : i32
        %dma_wait3A_252 = tpu.memref_slice %arg8[%dma_wait3A_248, %dma_wait3A_250, %dma_wait3A_251] : memref<5x125x64xf32, #tpu.memory_space<vmem>> -> memref<1x125x64xf32, #tpu.memory_space<vmem>>
        %dma_wait3A_253 = tpu.memref_squeeze %dma_wait3A_252 : memref<1x125x64xf32, #tpu.memory_space<vmem>> -> memref<125x64xf32, #tpu.memory_space<vmem>>
        %dma_wait3A_254 = arith.constant 0 : i32
        %dma_wait3A_255 = tpu.memref_slice %arg6[%add3A_247, %dma_wait3A_254] : memref<160x125xi32, #tpu.memory_space<vmem>> -> memref<1x125xi32, #tpu.memory_space<vmem>>
        %dma_wait3A_256 = tpu.memref_squeeze %dma_wait3A_255 : memref<1x125xi32, #tpu.memory_space<vmem>> -> memref<125xi32, #tpu.memory_space<vmem>>
        %dma_wait3A_257 = arith.constant 0 : i32
        %dma_wait3A_258 = arith.constant 0 : i32
        %dma_wait3A_259 = tpu.memref_slice %arg3[%dma_wait3A_257, %dma_wait3A_258] : memref<10000x64xf32, #tpu.memory_space<hbm>> -> memref<10000x64xf32, #tpu.memory_space<hbm>>
        %dma_wait3A_260 = tpu.memref_slice %arg11[%dma_wait3A_249] : memref<5x!tpu.dma_semaphore, #tpu.memory_space<semaphore_mem>> -> memref<1x!tpu.dma_semaphore, #tpu.memory_space<semaphore_mem>>
        %dma_wait3A_261 = tpu.memref_squeeze %dma_wait3A_260 : memref<1x!tpu.dma_semaphore, #tpu.memory_space<semaphore_mem>> -> memref<!tpu.dma_semaphore, #tpu.memory_space<semaphore_mem>>
        tpu.wait_indirect_dma semaphore(%dma_wait3A_261 : memref<!tpu.dma_semaphore, #tpu.memory_space<semaphore_mem>>) src(%dma_wait3A_259 : memref<10000x64xf32, #tpu.memory_space<hbm>>) dst(%dma_wait3A_253 : memref<125x64xf32, #tpu.memory_space<vmem>>)
        %dma_start3A_262 = arith.constant 3 : i32
        %dma_start3A_263 = arith.constant 3 : i32
        %dma_start3A_264 = arith.constant 0 : i32
        %dma_start3A_265 = arith.constant 0 : i32
        %dma_start3A_266 = tpu.memref_slice %arg8[%dma_start3A_262, %dma_start3A_264, %dma_start3A_265] : memref<5x125x64xf32, #tpu.memory_space<vmem>> -> memref<1x125x64xf32, #tpu.memory_space<vmem>>
        %dma_start3A_267 = tpu.memref_squeeze %dma_start3A_266 : memref<1x125x64xf32, #tpu.memory_space<vmem>> -> memref<125x64xf32, #tpu.memory_space<vmem>>
        %dma_start3A_268 = arith.constant 0 : i32
        %dma_start3A_269 = tpu.memref_slice %arg7[%add3A_247, %dma_start3A_268] : memref<160x125xi32, #tpu.memory_space<vmem>> -> memref<1x125xi32, #tpu.memory_space<vmem>>
        %dma_start3A_270 = tpu.memref_squeeze %dma_start3A_269 : memref<1x125xi32, #tpu.memory_space<vmem>> -> memref<125xi32, #tpu.memory_space<vmem>>
        %dma_start3A_271 = arith.constant 0 : i32
        %dma_start3A_272 = arith.constant 0 : i32
        %dma_start3A_273 = tpu.memref_slice %arg10[%dma_start3A_271, %dma_start3A_272] : memref<10000x64xf32, #tpu.memory_space<vmem_shared>> -> memref<10000x64xf32, #tpu.memory_space<vmem_shared>>
        %dma_start3A_274 = tpu.memref_slice %arg12[%dma_start3A_263] : memref<5x!tpu.dma_semaphore, #tpu.memory_space<semaphore_mem>> -> memref<1x!tpu.dma_semaphore, #tpu.memory_space<semaphore_mem>>
        %dma_start3A_275 = tpu.memref_squeeze %dma_start3A_274 : memref<1x!tpu.dma_semaphore, #tpu.memory_space<semaphore_mem>> -> memref<!tpu.dma_semaphore, #tpu.memory_space<semaphore_mem>>
        tpu.enqueue_indirect_dma source(%dma_start3A_267 : memref<125x64xf32, #tpu.memory_space<vmem>>) target(%dma_start3A_273 : memref<10000x64xf32, #tpu.memory_space<vmem_shared>>) offsets(%dma_start3A_270 : memref<125xi32, #tpu.memory_space<vmem>>) semaphore(%dma_start3A_275 : memref<!tpu.dma_semaphore, #tpu.memory_space<semaphore_mem>>) {add = true}
        %add3A_276 = arith.constant 4 : i32
        %add3A_277 = arith.addi %mul3A_155, %add3A_276 : i32
        %dma_wait3A_278 = arith.constant 4 : i32
        %dma_wait3A_279 = arith.constant 4 : i32
        %dma_wait3A_280 = arith.constant 0 : i32
        %dma_wait3A_281 = arith.constant 0 : i32
        %dma_wait3A_282 = tpu.memref_slice %arg8[%dma_wait3A_278, %dma_wait3A_280, %dma_wait3A_281] : memref<5x125x64xf32, #tpu.memory_space<vmem>> -> memref<1x125x64xf32, #tpu.memory_space<vmem>>
        %dma_wait3A_283 = tpu.memref_squeeze %dma_wait3A_282 : memref<1x125x64xf32, #tpu.memory_space<vmem>> -> memref<125x64xf32, #tpu.memory_space<vmem>>
        %dma_wait3A_284 = arith.constant 0 : i32
        %dma_wait3A_285 = tpu.memref_slice %arg6[%add3A_277, %dma_wait3A_284] : memref<160x125xi32, #tpu.memory_space<vmem>> -> memref<1x125xi32, #tpu.memory_space<vmem>>
        %dma_wait3A_286 = tpu.memref_squeeze %dma_wait3A_285 : memref<1x125xi32, #tpu.memory_space<vmem>> -> memref<125xi32, #tpu.memory_space<vmem>>
        %dma_wait3A_287 = arith.constant 0 : i32
        %dma_wait3A_288 = arith.constant 0 : i32
        %dma_wait3A_289 = tpu.memref_slice %arg3[%dma_wait3A_287, %dma_wait3A_288] : memref<10000x64xf32, #tpu.memory_space<hbm>> -> memref<10000x64xf32, #tpu.memory_space<hbm>>
        %dma_wait3A_290 = tpu.memref_slice %arg11[%dma_wait3A_279] : memref<5x!tpu.dma_semaphore, #tpu.memory_space<semaphore_mem>> -> memref<1x!tpu.dma_semaphore, #tpu.memory_space<semaphore_mem>>
        %dma_wait3A_291 = tpu.memref_squeeze %dma_wait3A_290 : memref<1x!tpu.dma_semaphore, #tpu.memory_space<semaphore_mem>> -> memref<!tpu.dma_semaphore, #tpu.memory_space<semaphore_mem>>
        tpu.wait_indirect_dma semaphore(%dma_wait3A_291 : memref<!tpu.dma_semaphore, #tpu.memory_space<semaphore_mem>>) src(%dma_wait3A_289 : memref<10000x64xf32, #tpu.memory_space<hbm>>) dst(%dma_wait3A_283 : memref<125x64xf32, #tpu.memory_space<vmem>>)
        %dma_start3A_292 = arith.constant 4 : i32
        %dma_start3A_293 = arith.constant 4 : i32
        %dma_start3A_294 = arith.constant 0 : i32
        %dma_start3A_295 = arith.constant 0 : i32
        %dma_start3A_296 = tpu.memref_slice %arg8[%dma_start3A_292, %dma_start3A_294, %dma_start3A_295] : memref<5x125x64xf32, #tpu.memory_space<vmem>> -> memref<1x125x64xf32, #tpu.memory_space<vmem>>
        %dma_start3A_297 = tpu.memref_squeeze %dma_start3A_296 : memref<1x125x64xf32, #tpu.memory_space<vmem>> -> memref<125x64xf32, #tpu.memory_space<vmem>>
        %dma_start3A_298 = arith.constant 0 : i32
        %dma_start3A_299 = tpu.memref_slice %arg7[%add3A_277, %dma_start3A_298] : memref<160x125xi32, #tpu.memory_space<vmem>> -> memref<1x125xi32, #tpu.memory_space<vmem>>
        %dma_start3A_300 = tpu.memref_squeeze %dma_start3A_299 : memref<1x125xi32, #tpu.memory_space<vmem>> -> memref<125xi32, #tpu.memory_space<vmem>>
        %dma_start3A_301 = arith.constant 0 : i32
        %dma_start3A_302 = arith.constant 0 : i32
        %dma_start3A_303 = tpu.memref_slice %arg10[%dma_start3A_301, %dma_start3A_302] : memref<10000x64xf32, #tpu.memory_space<vmem_shared>> -> memref<10000x64xf32, #tpu.memory_space<vmem_shared>>
        %dma_start3A_304 = tpu.memref_slice %arg12[%dma_start3A_293] : memref<5x!tpu.dma_semaphore, #tpu.memory_space<semaphore_mem>> -> memref<1x!tpu.dma_semaphore, #tpu.memory_space<semaphore_mem>>
        %dma_start3A_305 = tpu.memref_squeeze %dma_start3A_304 : memref<1x!tpu.dma_semaphore, #tpu.memory_space<semaphore_mem>> -> memref<!tpu.dma_semaphore, #tpu.memory_space<semaphore_mem>>
        tpu.enqueue_indirect_dma source(%dma_start3A_297 : memref<125x64xf32, #tpu.memory_space<vmem>>) target(%dma_start3A_303 : memref<10000x64xf32, #tpu.memory_space<vmem_shared>>) offsets(%dma_start3A_300 : memref<125xi32, #tpu.memory_space<vmem>>) semaphore(%dma_start3A_305 : memref<!tpu.dma_semaphore, #tpu.memory_space<semaphore_mem>>) {add = true}
        %add3A_306 = arith.constant 0 : i32
        %add3A_307 = arith.addi %mul3A_155, %add3A_306 : i32
        %dma_wait3A_308 = arith.constant 0 : i32
        %dma_wait3A_309 = arith.constant 0 : i32
        %dma_wait3A_310 = arith.constant 0 : i32
        %dma_wait3A_311 = arith.constant 0 : i32
        %dma_wait3A_312 = tpu.memref_slice %arg8[%dma_wait3A_308, %dma_wait3A_310, %dma_wait3A_311] : memref<5x125x64xf32, #tpu.memory_space<vmem>> -> memref<1x125x64xf32, #tpu.memory_space<vmem>>
        %dma_wait3A_313 = tpu.memref_squeeze %dma_wait3A_312 : memref<1x125x64xf32, #tpu.memory_space<vmem>> -> memref<125x64xf32, #tpu.memory_space<vmem>>
        %dma_wait3A_314 = arith.constant 0 : i32
        %dma_wait3A_315 = tpu.memref_slice %arg7[%add3A_307, %dma_wait3A_314] : memref<160x125xi32, #tpu.memory_space<vmem>> -> memref<1x125xi32, #tpu.memory_space<vmem>>
        %dma_wait3A_316 = tpu.memref_squeeze %dma_wait3A_315 : memref<1x125xi32, #tpu.memory_space<vmem>> -> memref<125xi32, #tpu.memory_space<vmem>>
        %dma_wait3A_317 = arith.constant 0 : i32
        %dma_wait3A_318 = arith.constant 0 : i32
        %dma_wait3A_319 = tpu.memref_slice %arg10[%dma_wait3A_317, %dma_wait3A_318] : memref<10000x64xf32, #tpu.memory_space<vmem_shared>> -> memref<10000x64xf32, #tpu.memory_space<vmem_shared>>
        %dma_wait3A_320 = tpu.memref_slice %arg12[%dma_wait3A_309] : memref<5x!tpu.dma_semaphore, #tpu.memory_space<semaphore_mem>> -> memref<1x!tpu.dma_semaphore, #tpu.memory_space<semaphore_mem>>
        %dma_wait3A_321 = tpu.memref_squeeze %dma_wait3A_320 : memref<1x!tpu.dma_semaphore, #tpu.memory_space<semaphore_mem>> -> memref<!tpu.dma_semaphore, #tpu.memory_space<semaphore_mem>>
        tpu.wait_indirect_dma semaphore(%dma_wait3A_321 : memref<!tpu.dma_semaphore, #tpu.memory_space<semaphore_mem>>) src(%dma_wait3A_313 : memref<125x64xf32, #tpu.memory_space<vmem>>) dst(%dma_wait3A_319 : memref<10000x64xf32, #tpu.memory_space<vmem_shared>>)
        %add3A_322 = arith.constant 5 : i32
        %add3A_323 = arith.addi %add3A_307, %add3A_322 : i32
        %lt3A = arith.constant 160 : i32
        %lt3A_324 = arith.cmpi slt, %add3A_323, %lt3A : i32
        %convert_element_type3A_325 = arith.extui %lt3A_324 : i1 to i32
        %cond3A_326 = arith.constant 0 : i32
        %cond3A_327 = arith.cmpi ne, %convert_element_type3A_325, %cond3A_326 : i32
        scf.if %cond3A_327 {
          %add3A_420 = arith.constant 5 : i32
          %add3A_421 = arith.addi %add3A_307, %add3A_420 : i32
          %dma_start3A_422 = arith.constant 0 : i32
          %dma_start3A_423 = arith.constant 0 : i32
          %dma_start3A_424 = arith.constant 0 : i32
          %dma_start3A_425 = arith.constant 0 : i32
          %dma_start3A_426 = tpu.memref_slice %arg8[%dma_start3A_422, %dma_start3A_424, %dma_start3A_425] : memref<5x125x64xf32, #tpu.memory_space<vmem>> -> memref<1x125x64xf32, #tpu.memory_space<vmem>>
          %dma_start3A_427 = tpu.memref_squeeze %dma_start3A_426 : memref<1x125x64xf32, #tpu.memory_space<vmem>> -> memref<125x64xf32, #tpu.memory_space<vmem>>
          %dma_start3A_428 = arith.constant 0 : i32
          %dma_start3A_429 = tpu.memref_slice %arg6[%add3A_421, %dma_start3A_428] : memref<160x125xi32, #tpu.memory_space<vmem>> -> memref<1x125xi32, #tpu.memory_space<vmem>>
          %dma_start3A_430 = tpu.memref_squeeze %dma_start3A_429 : memref<1x125xi32, #tpu.memory_space<vmem>> -> memref<125xi32, #tpu.memory_space<vmem>>
          %dma_start3A_431 = arith.constant 0 : i32
          %dma_start3A_432 = arith.constant 0 : i32
          %dma_start3A_433 = tpu.memref_slice %arg3[%dma_start3A_431, %dma_start3A_432] : memref<10000x64xf32, #tpu.memory_space<hbm>> -> memref<10000x64xf32, #tpu.memory_space<hbm>>
          %dma_start3A_434 = tpu.memref_slice %arg11[%dma_start3A_423] : memref<5x!tpu.dma_semaphore, #tpu.memory_space<semaphore_mem>> -> memref<1x!tpu.dma_semaphore, #tpu.memory_space<semaphore_mem>>
          %dma_start3A_435 = tpu.memref_squeeze %dma_start3A_434 : memref<1x!tpu.dma_semaphore, #tpu.memory_space<semaphore_mem>> -> memref<!tpu.dma_semaphore, #tpu.memory_space<semaphore_mem>>
          tpu.enqueue_indirect_dma source(%dma_start3A_433 : memref<10000x64xf32, #tpu.memory_space<hbm>>) target(%dma_start3A_427 : memref<125x64xf32, #tpu.memory_space<vmem>>) offsets(%dma_start3A_430 : memref<125xi32, #tpu.memory_space<vmem>>) semaphore(%dma_start3A_435 : memref<!tpu.dma_semaphore, #tpu.memory_space<semaphore_mem>>)
        } else {
        }
        %add3A_328 = arith.constant 1 : i32
        %add3A_329 = arith.addi %mul3A_155, %add3A_328 : i32
        %dma_wait3A_330 = arith.constant 1 : i32
        %dma_wait3A_331 = arith.constant 1 : i32
        %dma_wait3A_332 = arith.constant 0 : i32
        %dma_wait3A_333 = arith.constant 0 : i32
        %dma_wait3A_334 = tpu.memref_slice %arg8[%dma_wait3A_330, %dma_wait3A_332, %dma_wait3A_333] : memref<5x125x64xf32, #tpu.memory_space<vmem>> -> memref<1x125x64xf32, #tpu.memory_space<vmem>>
        %dma_wait3A_335 = tpu.memref_squeeze %dma_wait3A_334 : memref<1x125x64xf32, #tpu.memory_space<vmem>> -> memref<125x64xf32, #tpu.memory_space<vmem>>
        %dma_wait3A_336 = arith.constant 0 : i32
        %dma_wait3A_337 = tpu.memref_slice %arg7[%add3A_329, %dma_wait3A_336] : memref<160x125xi32, #tpu.memory_space<vmem>> -> memref<1x125xi32, #tpu.memory_space<vmem>>
        %dma_wait3A_338 = tpu.memref_squeeze %dma_wait3A_337 : memref<1x125xi32, #tpu.memory_space<vmem>> -> memref<125xi32, #tpu.memory_space<vmem>>
        %dma_wait3A_339 = arith.constant 0 : i32
        %dma_wait3A_340 = arith.constant 0 : i32
        %dma_wait3A_341 = tpu.memref_slice %arg10[%dma_wait3A_339, %dma_wait3A_340] : memref<10000x64xf32, #tpu.memory_space<vmem_shared>> -> memref<10000x64xf32, #tpu.memory_space<vmem_shared>>
        %dma_wait3A_342 = tpu.memref_slice %arg12[%dma_wait3A_331] : memref<5x!tpu.dma_semaphore, #tpu.memory_space<semaphore_mem>> -> memref<1x!tpu.dma_semaphore, #tpu.memory_space<semaphore_mem>>
        %dma_wait3A_343 = tpu.memref_squeeze %dma_wait3A_342 : memref<1x!tpu.dma_semaphore, #tpu.memory_space<semaphore_mem>> -> memref<!tpu.dma_semaphore, #tpu.memory_space<semaphore_mem>>
        tpu.wait_indirect_dma semaphore(%dma_wait3A_343 : memref<!tpu.dma_semaphore, #tpu.memory_space<semaphore_mem>>) src(%dma_wait3A_335 : memref<125x64xf32, #tpu.memory_space<vmem>>) dst(%dma_wait3A_341 : memref<10000x64xf32, #tpu.memory_space<vmem_shared>>)
        %add3A_344 = arith.constant 5 : i32
        %add3A_345 = arith.addi %add3A_329, %add3A_344 : i32
        %lt3A_346 = arith.constant 160 : i32
        %lt3A_347 = arith.cmpi slt, %add3A_345, %lt3A_346 : i32
        %convert_element_type3A_348 = arith.extui %lt3A_347 : i1 to i32
        %cond3A_349 = arith.constant 0 : i32
        %cond3A_350 = arith.cmpi ne, %convert_element_type3A_348, %cond3A_349 : i32
        scf.if %cond3A_350 {
          %add3A_420 = arith.constant 5 : i32
          %add3A_421 = arith.addi %add3A_329, %add3A_420 : i32
          %dma_start3A_422 = arith.constant 1 : i32
          %dma_start3A_423 = arith.constant 1 : i32
          %dma_start3A_424 = arith.constant 0 : i32
          %dma_start3A_425 = arith.constant 0 : i32
          %dma_start3A_426 = tpu.memref_slice %arg8[%dma_start3A_422, %dma_start3A_424, %dma_start3A_425] : memref<5x125x64xf32, #tpu.memory_space<vmem>> -> memref<1x125x64xf32, #tpu.memory_space<vmem>>
          %dma_start3A_427 = tpu.memref_squeeze %dma_start3A_426 : memref<1x125x64xf32, #tpu.memory_space<vmem>> -> memref<125x64xf32, #tpu.memory_space<vmem>>
          %dma_start3A_428 = arith.constant 0 : i32
          %dma_start3A_429 = tpu.memref_slice %arg6[%add3A_421, %dma_start3A_428] : memref<160x125xi32, #tpu.memory_space<vmem>> -> memref<1x125xi32, #tpu.memory_space<vmem>>
          %dma_start3A_430 = tpu.memref_squeeze %dma_start3A_429 : memref<1x125xi32, #tpu.memory_space<vmem>> -> memref<125xi32, #tpu.memory_space<vmem>>
          %dma_start3A_431 = arith.constant 0 : i32
          %dma_start3A_432 = arith.constant 0 : i32
          %dma_start3A_433 = tpu.memref_slice %arg3[%dma_start3A_431, %dma_start3A_432] : memref<10000x64xf32, #tpu.memory_space<hbm>> -> memref<10000x64xf32, #tpu.memory_space<hbm>>
          %dma_start3A_434 = tpu.memref_slice %arg11[%dma_start3A_423] : memref<5x!tpu.dma_semaphore, #tpu.memory_space<semaphore_mem>> -> memref<1x!tpu.dma_semaphore, #tpu.memory_space<semaphore_mem>>
          %dma_start3A_435 = tpu.memref_squeeze %dma_start3A_434 : memref<1x!tpu.dma_semaphore, #tpu.memory_space<semaphore_mem>> -> memref<!tpu.dma_semaphore, #tpu.memory_space<semaphore_mem>>
          tpu.enqueue_indirect_dma source(%dma_start3A_433 : memref<10000x64xf32, #tpu.memory_space<hbm>>) target(%dma_start3A_427 : memref<125x64xf32, #tpu.memory_space<vmem>>) offsets(%dma_start3A_430 : memref<125xi32, #tpu.memory_space<vmem>>) semaphore(%dma_start3A_435 : memref<!tpu.dma_semaphore, #tpu.memory_space<semaphore_mem>>)
        } else {
        }
        %add3A_351 = arith.constant 2 : i32
        %add3A_352 = arith.addi %mul3A_155, %add3A_351 : i32
        %dma_wait3A_353 = arith.constant 2 : i32
        %dma_wait3A_354 = arith.constant 2 : i32
        %dma_wait3A_355 = arith.constant 0 : i32
        %dma_wait3A_356 = arith.constant 0 : i32
        %dma_wait3A_357 = tpu.memref_slice %arg8[%dma_wait3A_353, %dma_wait3A_355, %dma_wait3A_356] : memref<5x125x64xf32, #tpu.memory_space<vmem>> -> memref<1x125x64xf32, #tpu.memory_space<vmem>>
        %dma_wait3A_358 = tpu.memref_squeeze %dma_wait3A_357 : memref<1x125x64xf32, #tpu.memory_space<vmem>> -> memref<125x64xf32, #tpu.memory_space<vmem>>
        %dma_wait3A_359 = arith.constant 0 : i32
        %dma_wait3A_360 = tpu.memref_slice %arg7[%add3A_352, %dma_wait3A_359] : memref<160x125xi32, #tpu.memory_space<vmem>> -> memref<1x125xi32, #tpu.memory_space<vmem>>
        %dma_wait3A_361 = tpu.memref_squeeze %dma_wait3A_360 : memref<1x125xi32, #tpu.memory_space<vmem>> -> memref<125xi32, #tpu.memory_space<vmem>>
        %dma_wait3A_362 = arith.constant 0 : i32
        %dma_wait3A_363 = arith.constant 0 : i32
        %dma_wait3A_364 = tpu.memref_slice %arg10[%dma_wait3A_362, %dma_wait3A_363] : memref<10000x64xf32, #tpu.memory_space<vmem_shared>> -> memref<10000x64xf32, #tpu.memory_space<vmem_shared>>
        %dma_wait3A_365 = tpu.memref_slice %arg12[%dma_wait3A_354] : memref<5x!tpu.dma_semaphore, #tpu.memory_space<semaphore_mem>> -> memref<1x!tpu.dma_semaphore, #tpu.memory_space<semaphore_mem>>
        %dma_wait3A_366 = tpu.memref_squeeze %dma_wait3A_365 : memref<1x!tpu.dma_semaphore, #tpu.memory_space<semaphore_mem>> -> memref<!tpu.dma_semaphore, #tpu.memory_space<semaphore_mem>>
        tpu.wait_indirect_dma semaphore(%dma_wait3A_366 : memref<!tpu.dma_semaphore, #tpu.memory_space<semaphore_mem>>) src(%dma_wait3A_358 : memref<125x64xf32, #tpu.memory_space<vmem>>) dst(%dma_wait3A_364 : memref<10000x64xf32, #tpu.memory_space<vmem_shared>>)
        %add3A_367 = arith.constant 5 : i32
        %add3A_368 = arith.addi %add3A_352, %add3A_367 : i32
        %lt3A_369 = arith.constant 160 : i32
        %lt3A_370 = arith.cmpi slt, %add3A_368, %lt3A_369 : i32
        %convert_element_type3A_371 = arith.extui %lt3A_370 : i1 to i32
        %cond3A_372 = arith.constant 0 : i32
        %cond3A_373 = arith.cmpi ne, %convert_element_type3A_371, %cond3A_372 : i32
        scf.if %cond3A_373 {
          %add3A_420 = arith.constant 5 : i32
          %add3A_421 = arith.addi %add3A_352, %add3A_420 : i32
          %dma_start3A_422 = arith.constant 2 : i32
          %dma_start3A_423 = arith.constant 2 : i32
          %dma_start3A_424 = arith.constant 0 : i32
          %dma_start3A_425 = arith.constant 0 : i32
          %dma_start3A_426 = tpu.memref_slice %arg8[%dma_start3A_422, %dma_start3A_424, %dma_start3A_425] : memref<5x125x64xf32, #tpu.memory_space<vmem>> -> memref<1x125x64xf32, #tpu.memory_space<vmem>>
          %dma_start3A_427 = tpu.memref_squeeze %dma_start3A_426 : memref<1x125x64xf32, #tpu.memory_space<vmem>> -> memref<125x64xf32, #tpu.memory_space<vmem>>
          %dma_start3A_428 = arith.constant 0 : i32
          %dma_start3A_429 = tpu.memref_slice %arg6[%add3A_421, %dma_start3A_428] : memref<160x125xi32, #tpu.memory_space<vmem>> -> memref<1x125xi32, #tpu.memory_space<vmem>>
          %dma_start3A_430 = tpu.memref_squeeze %dma_start3A_429 : memref<1x125xi32, #tpu.memory_space<vmem>> -> memref<125xi32, #tpu.memory_space<vmem>>
          %dma_start3A_431 = arith.constant 0 : i32
          %dma_start3A_432 = arith.constant 0 : i32
          %dma_start3A_433 = tpu.memref_slice %arg3[%dma_start3A_431, %dma_start3A_432] : memref<10000x64xf32, #tpu.memory_space<hbm>> -> memref<10000x64xf32, #tpu.memory_space<hbm>>
          %dma_start3A_434 = tpu.memref_slice %arg11[%dma_start3A_423] : memref<5x!tpu.dma_semaphore, #tpu.memory_space<semaphore_mem>> -> memref<1x!tpu.dma_semaphore, #tpu.memory_space<semaphore_mem>>
          %dma_start3A_435 = tpu.memref_squeeze %dma_start3A_434 : memref<1x!tpu.dma_semaphore, #tpu.memory_space<semaphore_mem>> -> memref<!tpu.dma_semaphore, #tpu.memory_space<semaphore_mem>>
          tpu.enqueue_indirect_dma source(%dma_start3A_433 : memref<10000x64xf32, #tpu.memory_space<hbm>>) target(%dma_start3A_427 : memref<125x64xf32, #tpu.memory_space<vmem>>) offsets(%dma_start3A_430 : memref<125xi32, #tpu.memory_space<vmem>>) semaphore(%dma_start3A_435 : memref<!tpu.dma_semaphore, #tpu.memory_space<semaphore_mem>>)
        } else {
        }
        %add3A_374 = arith.constant 3 : i32
        %add3A_375 = arith.addi %mul3A_155, %add3A_374 : i32
        %dma_wait3A_376 = arith.constant 3 : i32
        %dma_wait3A_377 = arith.constant 3 : i32
        %dma_wait3A_378 = arith.constant 0 : i32
        %dma_wait3A_379 = arith.constant 0 : i32
        %dma_wait3A_380 = tpu.memref_slice %arg8[%dma_wait3A_376, %dma_wait3A_378, %dma_wait3A_379] : memref<5x125x64xf32, #tpu.memory_space<vmem>> -> memref<1x125x64xf32, #tpu.memory_space<vmem>>
        %dma_wait3A_381 = tpu.memref_squeeze %dma_wait3A_380 : memref<1x125x64xf32, #tpu.memory_space<vmem>> -> memref<125x64xf32, #tpu.memory_space<vmem>>
        %dma_wait3A_382 = arith.constant 0 : i32
        %dma_wait3A_383 = tpu.memref_slice %arg7[%add3A_375, %dma_wait3A_382] : memref<160x125xi32, #tpu.memory_space<vmem>> -> memref<1x125xi32, #tpu.memory_space<vmem>>
        %dma_wait3A_384 = tpu.memref_squeeze %dma_wait3A_383 : memref<1x125xi32, #tpu.memory_space<vmem>> -> memref<125xi32, #tpu.memory_space<vmem>>
        %dma_wait3A_385 = arith.constant 0 : i32
        %dma_wait3A_386 = arith.constant 0 : i32
        %dma_wait3A_387 = tpu.memref_slice %arg10[%dma_wait3A_385, %dma_wait3A_386] : memref<10000x64xf32, #tpu.memory_space<vmem_shared>> -> memref<10000x64xf32, #tpu.memory_space<vmem_shared>>
        %dma_wait3A_388 = tpu.memref_slice %arg12[%dma_wait3A_377] : memref<5x!tpu.dma_semaphore, #tpu.memory_space<semaphore_mem>> -> memref<1x!tpu.dma_semaphore, #tpu.memory_space<semaphore_mem>>
        %dma_wait3A_389 = tpu.memref_squeeze %dma_wait3A_388 : memref<1x!tpu.dma_semaphore, #tpu.memory_space<semaphore_mem>> -> memref<!tpu.dma_semaphore, #tpu.memory_space<semaphore_mem>>
        tpu.wait_indirect_dma semaphore(%dma_wait3A_389 : memref<!tpu.dma_semaphore, #tpu.memory_space<semaphore_mem>>) src(%dma_wait3A_381 : memref<125x64xf32, #tpu.memory_space<vmem>>) dst(%dma_wait3A_387 : memref<10000x64xf32, #tpu.memory_space<vmem_shared>>)
        %add3A_390 = arith.constant 5 : i32
        %add3A_391 = arith.addi %add3A_375, %add3A_390 : i32
        %lt3A_392 = arith.constant 160 : i32
        %lt3A_393 = arith.cmpi slt, %add3A_391, %lt3A_392 : i32
        %convert_element_type3A_394 = arith.extui %lt3A_393 : i1 to i32
        %cond3A_395 = arith.constant 0 : i32
        %cond3A_396 = arith.cmpi ne, %convert_element_type3A_394, %cond3A_395 : i32
        scf.if %cond3A_396 {
          %add3A_420 = arith.constant 5 : i32
          %add3A_421 = arith.addi %add3A_375, %add3A_420 : i32
          %dma_start3A_422 = arith.constant 3 : i32
          %dma_start3A_423 = arith.constant 3 : i32
          %dma_start3A_424 = arith.constant 0 : i32
          %dma_start3A_425 = arith.constant 0 : i32
          %dma_start3A_426 = tpu.memref_slice %arg8[%dma_start3A_422, %dma_start3A_424, %dma_start3A_425] : memref<5x125x64xf32, #tpu.memory_space<vmem>> -> memref<1x125x64xf32, #tpu.memory_space<vmem>>
          %dma_start3A_427 = tpu.memref_squeeze %dma_start3A_426 : memref<1x125x64xf32, #tpu.memory_space<vmem>> -> memref<125x64xf32, #tpu.memory_space<vmem>>
          %dma_start3A_428 = arith.constant 0 : i32
          %dma_start3A_429 = tpu.memref_slice %arg6[%add3A_421, %dma_start3A_428] : memref<160x125xi32, #tpu.memory_space<vmem>> -> memref<1x125xi32, #tpu.memory_space<vmem>>
          %dma_start3A_430 = tpu.memref_squeeze %dma_start3A_429 : memref<1x125xi32, #tpu.memory_space<vmem>> -> memref<125xi32, #tpu.memory_space<vmem>>
          %dma_start3A_431 = arith.constant 0 : i32
          %dma_start3A_432 = arith.constant 0 : i32
          %dma_start3A_433 = tpu.memref_slice %arg3[%dma_start3A_431, %dma_start3A_432] : memref<10000x64xf32, #tpu.memory_space<hbm>> -> memref<10000x64xf32, #tpu.memory_space<hbm>>
          %dma_start3A_434 = tpu.memref_slice %arg11[%dma_start3A_423] : memref<5x!tpu.dma_semaphore, #tpu.memory_space<semaphore_mem>> -> memref<1x!tpu.dma_semaphore, #tpu.memory_space<semaphore_mem>>
          %dma_start3A_435 = tpu.memref_squeeze %dma_start3A_434 : memref<1x!tpu.dma_semaphore, #tpu.memory_space<semaphore_mem>> -> memref<!tpu.dma_semaphore, #tpu.memory_space<semaphore_mem>>
          tpu.enqueue_indirect_dma source(%dma_start3A_433 : memref<10000x64xf32, #tpu.memory_space<hbm>>) target(%dma_start3A_427 : memref<125x64xf32, #tpu.memory_space<vmem>>) offsets(%dma_start3A_430 : memref<125xi32, #tpu.memory_space<vmem>>) semaphore(%dma_start3A_435 : memref<!tpu.dma_semaphore, #tpu.memory_space<semaphore_mem>>)
        } else {
        }
        %add3A_397 = arith.constant 4 : i32
        %add3A_398 = arith.addi %mul3A_155, %add3A_397 : i32
        %dma_wait3A_399 = arith.constant 4 : i32
        %dma_wait3A_400 = arith.constant 4 : i32
        %dma_wait3A_401 = arith.constant 0 : i32
        %dma_wait3A_402 = arith.constant 0 : i32
        %dma_wait3A_403 = tpu.memref_slice %arg8[%dma_wait3A_399, %dma_wait3A_401, %dma_wait3A_402] : memref<5x125x64xf32, #tpu.memory_space<vmem>> -> memref<1x125x64xf32, #tpu.memory_space<vmem>>
        %dma_wait3A_404 = tpu.memref_squeeze %dma_wait3A_403 : memref<1x125x64xf32, #tpu.memory_space<vmem>> -> memref<125x64xf32, #tpu.memory_space<vmem>>
        %dma_wait3A_405 = arith.constant 0 : i32
        %dma_wait3A_406 = tpu.memref_slice %arg7[%add3A_398, %dma_wait3A_405] : memref<160x125xi32, #tpu.memory_space<vmem>> -> memref<1x125xi32, #tpu.memory_space<vmem>>
        %dma_wait3A_407 = tpu.memref_squeeze %dma_wait3A_406 : memref<1x125xi32, #tpu.memory_space<vmem>> -> memref<125xi32, #tpu.memory_space<vmem>>
        %dma_wait3A_408 = arith.constant 0 : i32
        %dma_wait3A_409 = arith.constant 0 : i32
        %dma_wait3A_410 = tpu.memref_slice %arg10[%dma_wait3A_408, %dma_wait3A_409] : memref<10000x64xf32, #tpu.memory_space<vmem_shared>> -> memref<10000x64xf32, #tpu.memory_space<vmem_shared>>
        %dma_wait3A_411 = tpu.memref_slice %arg12[%dma_wait3A_400] : memref<5x!tpu.dma_semaphore, #tpu.memory_space<semaphore_mem>> -> memref<1x!tpu.dma_semaphore, #tpu.memory_space<semaphore_mem>>
        %dma_wait3A_412 = tpu.memref_squeeze %dma_wait3A_411 : memref<1x!tpu.dma_semaphore, #tpu.memory_space<semaphore_mem>> -> memref<!tpu.dma_semaphore, #tpu.memory_space<semaphore_mem>>
        tpu.wait_indirect_dma semaphore(%dma_wait3A_412 : memref<!tpu.dma_semaphore, #tpu.memory_space<semaphore_mem>>) src(%dma_wait3A_404 : memref<125x64xf32, #tpu.memory_space<vmem>>) dst(%dma_wait3A_410 : memref<10000x64xf32, #tpu.memory_space<vmem_shared>>)
        %add3A_413 = arith.constant 5 : i32
        %add3A_414 = arith.addi %add3A_398, %add3A_413 : i32
        %lt3A_415 = arith.constant 160 : i32
        %lt3A_416 = arith.cmpi slt, %add3A_414, %lt3A_415 : i32
        %convert_element_type3A_417 = arith.extui %lt3A_416 : i1 to i32
        %cond3A_418 = arith.constant 0 : i32
        %cond3A_419 = arith.cmpi ne, %convert_element_type3A_417, %cond3A_418 : i32
        scf.if %cond3A_419 {
          %add3A_420 = arith.constant 5 : i32
          %add3A_421 = arith.addi %add3A_398, %add3A_420 : i32
          %dma_start3A_422 = arith.constant 4 : i32
          %dma_start3A_423 = arith.constant 4 : i32
          %dma_start3A_424 = arith.constant 0 : i32
          %dma_start3A_425 = arith.constant 0 : i32
          %dma_start3A_426 = tpu.memref_slice %arg8[%dma_start3A_422, %dma_start3A_424, %dma_start3A_425] : memref<5x125x64xf32, #tpu.memory_space<vmem>> -> memref<1x125x64xf32, #tpu.memory_space<vmem>>
          %dma_start3A_427 = tpu.memref_squeeze %dma_start3A_426 : memref<1x125x64xf32, #tpu.memory_space<vmem>> -> memref<125x64xf32, #tpu.memory_space<vmem>>
          %dma_start3A_428 = arith.constant 0 : i32
          %dma_start3A_429 = tpu.memref_slice %arg6[%add3A_421, %dma_start3A_428] : memref<160x125xi32, #tpu.memory_space<vmem>> -> memref<1x125xi32, #tpu.memory_space<vmem>>
          %dma_start3A_430 = tpu.memref_squeeze %dma_start3A_429 : memref<1x125xi32, #tpu.memory_space<vmem>> -> memref<125xi32, #tpu.memory_space<vmem>>
          %dma_start3A_431 = arith.constant 0 : i32
          %dma_start3A_432 = arith.constant 0 : i32
          %dma_start3A_433 = tpu.memref_slice %arg3[%dma_start3A_431, %dma_start3A_432] : memref<10000x64xf32, #tpu.memory_space<hbm>> -> memref<10000x64xf32, #tpu.memory_space<hbm>>
          %dma_start3A_434 = tpu.memref_slice %arg11[%dma_start3A_423] : memref<5x!tpu.dma_semaphore, #tpu.memory_space<semaphore_mem>> -> memref<1x!tpu.dma_semaphore, #tpu.memory_space<semaphore_mem>>
          %dma_start3A_435 = tpu.memref_squeeze %dma_start3A_434 : memref<1x!tpu.dma_semaphore, #tpu.memory_space<semaphore_mem>> -> memref<!tpu.dma_semaphore, #tpu.memory_space<semaphore_mem>>
          tpu.enqueue_indirect_dma source(%dma_start3A_433 : memref<10000x64xf32, #tpu.memory_space<hbm>>) target(%dma_start3A_427 : memref<125x64xf32, #tpu.memory_space<vmem>>) offsets(%dma_start3A_430 : memref<125xi32, #tpu.memory_space<vmem>>) semaphore(%dma_start3A_435 : memref<!tpu.dma_semaphore, #tpu.memory_space<semaphore_mem>>)
        } else {
        }
      }
      %scan3A_149 = arith.constant 32 : i32
    } else {
    }
    %barrier3A_69 = arith.constant 0 : index
    tpu.barrier barrier_id(%barrier3A_69)
    "tpu.region"() ({
      %run_scoped3A = tpu.sem_alloc : memref<!tpu.dma_semaphore, #tpu.memory_space<semaphore_mem>>
      %dma_start3A_70 = arith.constant 0 : i32
      %dma_start3A_71 = tpu.memref_slice %arg5[%arg0, %mul3A_28, %dma_start3A_70] : memref<2x10000x64xf32, #tpu.memory_space<hbm>> -> memref<1x625x64xf32, #tpu.memory_space<hbm>>
      %dma_start3A_72 = tpu.memref_squeeze %dma_start3A_71 : memref<1x625x64xf32, #tpu.memory_space<hbm>> -> memref<625x64xf32, #tpu.memory_space<hbm>>
      %dma_start3A_73 = arith.constant 0 : i32
      %dma_start3A_74 = tpu.memref_slice %arg10[%mul3A_28, %dma_start3A_73] : memref<10000x64xf32, #tpu.memory_space<vmem_shared>> -> memref<625x64xf32, #tpu.memory_space<vmem_shared>>
      tpu.enqueue_dma source(%dma_start3A_74 : memref<625x64xf32, #tpu.memory_space<vmem_shared>>) target(%dma_start3A_72 : memref<625x64xf32, #tpu.memory_space<hbm>>) target_semaphore(%run_scoped3A : memref<!tpu.dma_semaphore, #tpu.memory_space<semaphore_mem>>)
      %dma_wait3A_75 = arith.constant 0 : i32
      %dma_wait3A_76 = tpu.memref_slice %arg5[%arg0, %mul3A_28, %dma_wait3A_75] : memref<2x10000x64xf32, #tpu.memory_space<hbm>> -> memref<1x625x64xf32, #tpu.memory_space<hbm>>
      %dma_wait3A_77 = tpu.memref_squeeze %dma_wait3A_76 : memref<1x625x64xf32, #tpu.memory_space<hbm>> -> memref<625x64xf32, #tpu.memory_space<hbm>>
      %dma_wait3A_78 = arith.constant 0 : i32
      %dma_wait3A_79 = tpu.memref_slice %arg10[%mul3A_28, %dma_wait3A_78] : memref<10000x64xf32, #tpu.memory_space<vmem_shared>> -> memref<625x64xf32, #tpu.memory_space<vmem_shared>>
      tpu.wait_dma2 semaphore(%run_scoped3A : memref<!tpu.dma_semaphore, #tpu.memory_space<semaphore_mem>>) src(%dma_wait3A_79 : memref<625x64xf32, #tpu.memory_space<vmem_shared>>) dst(%dma_wait3A_77 : memref<625x64xf32, #tpu.memory_space<hbm>>)
      tpu.yield
    }) : () -> ()
    return
  }
}

module attributes {stable_mosaic.version = 14 : i64} {
  func.func @self_kernel(%arg0: i32, %arg1: memref<1000x128xf32, #tpu.memory_space<vmem>>, %arg2: memref<128x128xf32, #tpu.memory_space<vmem>>, %arg3: memref<1x128xf32, #tpu.memory_space<vmem>>, %arg4: memref<1000x128xf32, #tpu.memory_space<vmem>>) attributes {dimension_semantics = [#tpu.dimension_semantics<arbitrary>], iteration_bounds = array<i64: 10>, scalar_prefetch = 0 : i64, scratch_operands = 0 : i64, tpu.core_type = #tpu.core_type<tc>, window_params = [{transform_indices = @transform_0, window_bounds = array<i64: 1000, 128>}, {pipeline_mode = #tpu.pipeline_mode<synchronous>, transform_indices = @transform_1, window_bounds = array<i64: 128, 128>}, {pipeline_mode = #tpu.pipeline_mode<synchronous>, transform_indices = @transform_2, window_bounds = array<i64: 1, 128>}, {transform_indices = @transform_3, window_bounds = array<i64: 1000, 128>}]} {
    %get3A = arith.constant 0 : index
    %get3A_0 = arith.constant 0 : index
    %get3A_1 = vector.load %arg1[%get3A, %get3A_0] : memref<1000x128xf32, #tpu.memory_space<vmem>>, vector<1000x128xf32>
    %get3A_2 = arith.constant 0 : index
    %get3A_3 = arith.constant 0 : index
    %get3A_4 = vector.load %arg2[%get3A_2, %get3A_3] : memref<128x128xf32, #tpu.memory_space<vmem>>, vector<128x128xf32>
    %dot_general3A = arith.constant dense<0.000000e+00> : vector<1000x128xf32>
    %dot_general3A_5 = tpu.matmul %get3A_1, %get3A_4, %dot_general3A {dimension_numbers = #tpu.dot_dimension_numbers<[1], [0], [0], [1], [0, 0, 1, 1], [], []>, transpose_lhs_hint = false} : vector<1000x128xf32>, vector<128x128xf32>, vector<1000x128xf32> -> vector<1000x128xf32>
    %get3A_6 = arith.constant 0 : index
    %get3A_7 = arith.constant 0 : index
    %get3A_8 = vector.load %arg3[%get3A_6, %get3A_7] : memref<1x128xf32, #tpu.memory_space<vmem>>, vector<1x128xf32>
    %add3A = vector.broadcast %get3A_8 : vector<1x128xf32> to vector<1000x128xf32>
    %add3A_9 = arith.addf %dot_general3A_5, %add3A : vector<1000x128xf32>
    %swap3A = arith.constant 0 : index
    %swap3A_10 = arith.constant 0 : index
    %swap3A_11 = vector.load %arg4[%swap3A, %swap3A_10] : memref<1000x128xf32, #tpu.memory_space<vmem>>, vector<1000x128xf32>
    tpu.vector_store %arg4[%swap3A, %swap3A_10], %add3A_9 {strides = array<i32>} : memref<1000x128xf32, #tpu.memory_space<vmem>>, vector<1000x128xf32>,
    return
  }
  func.func @transform_0(%arg0: i32) -> (i32, i32) {
    %c0_i32 = arith.constant 0 : i32
    %c0_i32_0 = arith.constant 0 : i32
    return %arg0, %c0_i32 : i32, i32
  }
  func.func @transform_1(%arg0: i32) -> (i32, i32) {
    %c0_i32 = arith.constant 0 : i32
    %c0_i32_0 = arith.constant 0 : i32
    %c0_i32_1 = arith.constant 0 : i32
    return %c0_i32, %c0_i32_0 : i32, i32
  }
  func.func @transform_2(%arg0: i32) -> (i32, i32) {
    %c0_i32 = arith.constant 0 : i32
    %c0_i32_0 = arith.constant 0 : i32
    %c0_i32_1 = arith.constant 0 : i32
    return %c0_i32, %c0_i32_0 : i32, i32
  }
  func.func @transform_3(%arg0: i32) -> (i32, i32) {
    %c0_i32 = arith.constant 0 : i32
    %c0_i32_0 = arith.constant 0 : i32
    return %arg0, %c0_i32 : i32, i32
  }
}

module attributes {stable_mosaic.version = 14 : i64} {
  func.func @head_kernel(%arg0: i32, %arg1: memref<1000x128xf32, #tpu.memory_space<vmem>>, %arg2: memref<2x1000x64xf32, #tpu.memory_space<vmem>>, %arg3: memref<128x128xf32, #tpu.memory_space<vmem>>, %arg4: memref<1x128xf32, #tpu.memory_space<vmem>>, %arg5: memref<1000x1xf32, #tpu.memory_space<vmem>>) attributes {dimension_semantics = [#tpu.dimension_semantics<arbitrary>], iteration_bounds = array<i64: 10>, scalar_prefetch = 0 : i64, scratch_operands = 0 : i64, tpu.core_type = #tpu.core_type<tc>, window_params = [{transform_indices = @transform_0, window_bounds = array<i64: 1000, 128>}, {transform_indices = @transform_1, window_bounds = array<i64: 2, 1000, 64>}, {pipeline_mode = #tpu.pipeline_mode<synchronous>, transform_indices = @transform_2, window_bounds = array<i64: 128, 128>}, {pipeline_mode = #tpu.pipeline_mode<synchronous>, transform_indices = @transform_3, window_bounds = array<i64: 1, 128>}, {transform_indices = @transform_4, window_bounds = array<i64: 1000, 1>}]} {
    %get3A = arith.constant 0 : index
    %get3A_0 = arith.constant 0 : index
    %get3A_1 = arith.constant 0 : index
    %get3A_2 = vector.load %arg2[%get3A, %get3A_0, %get3A_1] : memref<2x1000x64xf32, #tpu.memory_space<vmem>>, vector<1x1000x64xf32>
    %get3A_3 = vector.shape_cast %get3A_2 : vector<1x1000x64xf32> to vector<1000x64xf32>
    %get3A_4 = arith.constant 1 : index
    %get3A_5 = arith.constant 0 : index
    %get3A_6 = arith.constant 0 : index
    %get3A_7 = vector.load %arg2[%get3A_4, %get3A_5, %get3A_6] : memref<2x1000x64xf32, #tpu.memory_space<vmem>>, vector<1x1000x64xf32>
    %get3A_8 = vector.shape_cast %get3A_7 : vector<1x1000x64xf32> to vector<1000x64xf32>
    %concatenate3A = tpu.concatenate %get3A_3, %get3A_8 in 1 : vector<1000x64xf32>, vector<1000x64xf32> -> vector<1000x128xf32>
    %get3A_9 = arith.constant 0 : index
    %get3A_10 = arith.constant 0 : index
    %get3A_11 = vector.load %arg1[%get3A_9, %get3A_10] : memref<1000x128xf32, #tpu.memory_space<vmem>>, vector<1000x128xf32>
    %get3A_12 = arith.constant 0 : index
    %get3A_13 = arith.constant 0 : index
    %get3A_14 = vector.load %arg3[%get3A_12, %get3A_13] : memref<128x128xf32, #tpu.memory_space<vmem>>, vector<128x128xf32>
    %dot_general3A = arith.constant dense<0.000000e+00> : vector<1000x128xf32>
    %dot_general3A_15 = tpu.matmul %concatenate3A, %get3A_14, %dot_general3A {dimension_numbers = #tpu.dot_dimension_numbers<[1], [0], [0], [1], [0, 0, 1, 1], [], []>, transpose_lhs_hint = false} : vector<1000x128xf32>, vector<128x128xf32>, vector<1000x128xf32> -> vector<1000x128xf32>
    %add3A = arith.addf %get3A_11, %dot_general3A_15 : vector<1000x128xf32>
    %max3A = arith.constant 0.000000e+00 : f32
    %max3A_16 = vector.broadcast %max3A : f32 to vector<1000x128xf32>
    %max3A_17 = arith.maximumf %add3A, %max3A_16 : vector<1000x128xf32>
    %get3A_18 = arith.constant 0 : index
    %get3A_19 = arith.constant 0 : index
    %get3A_20 = vector.load %arg4[%get3A_18, %get3A_19] : memref<1x128xf32, #tpu.memory_space<vmem>>, vector<1x128xf32>
    %mul3A = vector.broadcast %get3A_20 : vector<1x128xf32> to vector<1000x128xf32>
    %mul3A_21 = arith.mulf %max3A_17, %mul3A : vector<1000x128xf32>
    %reduce_sum3A = arith.constant dense<0.000000e+00> : vector<1000xf32>
    %reduce_sum3A_22 = vector.multi_reduction <add>, %mul3A_21, %reduce_sum3A [1] : vector<1000x128xf32> to vector<1000xf32>
    %broadcast_in_dim3A = vector.shape_cast %reduce_sum3A_22 : vector<1000xf32> to vector<1000x1xf32>
    %swap3A = arith.constant 0 : index
    %swap3A_23 = arith.constant 0 : index
    %swap3A_24 = vector.load %arg5[%swap3A, %swap3A_23] : memref<1000x1xf32, #tpu.memory_space<vmem>>, vector<1000x1xf32>
    tpu.vector_store %arg5[%swap3A, %swap3A_23], %broadcast_in_dim3A {strides = array<i32>} : memref<1000x1xf32, #tpu.memory_space<vmem>>, vector<1000x1xf32>,
    return
  }
  func.func @transform_0(%arg0: i32) -> (i32, i32) {
    %c0_i32 = arith.constant 0 : i32
    %c0_i32_0 = arith.constant 0 : i32
    return %arg0, %c0_i32 : i32, i32
  }
  func.func @transform_1(%arg0: i32) -> (i32, i32, i32) {
    %c0_i32 = arith.constant 0 : i32
    %c0_i32_0 = arith.constant 0 : i32
    %c0_i32_1 = arith.constant 0 : i32
    return %c0_i32, %arg0, %c0_i32_0 : i32, i32, i32
  }
  func.func @transform_2(%arg0: i32) -> (i32, i32) {
    %c0_i32 = arith.constant 0 : i32
    %c0_i32_0 = arith.constant 0 : i32
    %c0_i32_1 = arith.constant 0 : i32
    return %c0_i32, %c0_i32_0 : i32, i32
  }
  func.func @transform_3(%arg0: i32) -> (i32, i32) {
    %c0_i32 = arith.constant 0 : i32
    %c0_i32_0 = arith.constant 0 : i32
    %c0_i32_1 = arith.constant 0 : i32
    return %c0_i32, %c0_i32_0 : i32, i32
  }
  func.func @transform_4(%arg0: i32) -> (i32, i32) {
    %c0_i32 = arith.constant 0 : i32
    %c0_i32_0 = arith.constant 0 : i32
    return %arg0, %c0_i32 : i32, i32
  }
}

</mosaic_0001>

<sc_bundles>
// kernel: kernel.5.cloned.1.call-start
scs
__scs_entry_jumppad:
0x0: {  	(pc) =	sbr.rel $0x88, $3  }
0x1: {  	(tag) =	ssettag $0x0;
	lr =	simm.s32 $0x1  }
0x2: {  	[smem:$0x3F9B] =	sst lr;
	_ =	strace $0xD0000000  }
0x3: {  	_ = 	snop  }
0x4: {  	_ = 	snop  }
0x5: {  	_ = 	snop  }
0x6: {  	_ = 	snop  }
0x7: {  	_ = 	snop  }
__scs_overlays_trampoline_lowered:
0x8: {  	[smem:$0x3FAA] =	sst s0  }
0x9: {  	[smem:$0x3FAB] =	sst s1  }
0xa: {  	[smem:$0x3FAC] =	sst s2  }
0xb: {  	[smem:$0x3FAD] =	sst s3  }
0xc: {  	[smem:$0x3FAE] =	sst s4  }
0xd: {  	[smem:$0x3FAF] =	sst s5  }
0xe: {  	[smem:$0x3FB0] =	sst s6  }
0xf: {  	[smem:$0x3FB1] =	sst s7  }
0x10: {  	[smem:$0x3FB2] =	sst s8  }
0x11: {  	[smem:$0x3FB3] =	sst s9;
	s0 =	simm.s32 @!p0 $0x0  }
0x12: {  	s1 =	sld [smem:$0x3F99];
	s0 =	simm.s32 @p0 $0x1  }
0x13: {  	[smem:$0x3FB4] =	sst s0;
	s0 =	simm.s32 @!p1 $0x0  }
0x14: {  	s2 =	sld [smem:$0x3F98];
	s0 =	simm.s32 @p1 $0x1  }
0x15: {  	[smem:$0x3FB5] =	sst s0;
	s0 =	simm.s32 @!p2 $0x0  }
0x16: {  	s3 =	sld [smem:$0x3FDB];
	s0 =	simm.s32 @p2 $0x1  }
0x17: {  	s4 =	simm.s32 $0x1BF5;
	[smem:$0x3FB7] =	sst s0  }
0x18: {  	s0 =	sld [smem:$0x3F9A];
	_ =	swait.ge [sflag:s4], $0x0  }
0x19: {  	s7 =	sld [smem:$0x3F9B]  }
0x1a: {  	s8 =	sadd.s32 $0xFFFFE003, lr  }
0x1b: {  	s9 =	sadd.s32 $0xFFFFFEF7, lr;
	s5 =	simm.s32 $0xFFFFFFFF;
	p2 =	slt.u32 s8, $0xFFFFF086  }
0x1c: {  	p1 =	slt.u32 s9, $0xF7A;
	s5 =	simm.s32 @!p2 $0x0  }
0x1d: {  	s5 =	simm.s32 @p1 $0x1;
	p0 =	seq.s32 s7, s2  }
0x1e: {  	s7 =	smul.u32 @!p0 $0xF7A, s2;
	p2 =	seq.s32 @!p0 s5, $0x0  }
0x1f: {  	s9 =	smul.u32 $0xF7A, s1;
	s8 =	simm.s32 @!p0 $0x1BF5;
	p2 =	por !p2, p0  }
0x20: {  	[sflag:s8] =	ssyncset.s32 @!p0 $0xFFFFF086;
	s6 =	sadd.s32 @!p0 s3, s7;
	s7 =	simm.s32 @!p0 $0x108  }
0x21: {  	s3 =	sadd.s32 s3, s9;
	s6 =	sadd.s32 @!p0 $0x88, s6;
	s7 =	simm.s32 @p2 $0x1082  }
0x22: {  	[simem:s7], [sflag:s8] =	dma.local @!p0 [hbm:s6], $0xF7A  }
0x23: {  	s9 =	sor.u32 $0xD0000000, s2;
	s6 =	simm.s32 $0x108;
	_ =	swait.ge @!p0 [sflag:s8], $0x0  }
0x24: {  	s3 =	sadd.s32 $0x88, s3;
	s6 =	simm.s32 @!p1 $0x1082;
	[sflag:s4] =	ssyncset.s32 $0xFFFFF086  }
0x25: {  	[simem:s6], [sflag:s4] =	dma.local [hbm:s3], $0xF7A  }
0x26: {  	[smem:$0x3F9B] =	sst s1;
	(tag) =	ssettag s2;
	_ =	strace s9  }
0x27: {  	s1 =	sld [smem:$0x3FAB]  }
0x28: {  	s2 =	sld [smem:$0x3FAC]  }
0x29: {  	s4 =	sld [smem:$0x3FAE]  }
0x2a: {  	p0 =	seq.s32 s5, $0x0;
	s5 =	sld [smem:$0x3FAF]  }
0x2b: {  	s6 =	sld [smem:$0x3FB0]  }
0x2c: {  	s7 =	sld [smem:$0x3FB1]  }
0x2d: {  	s3 =	simm.s32 $0x108;
	s8 =	sld [smem:$0x3FB2]  }
0x2e: {  	s3 =	simm.s32 @!p0 $0x1082;
	s9 =	sld [smem:$0x3FB3]  }
0x2f: {  	lr =	sadd.s32 s0, s3;
	s0 =	sld [smem:$0x3FAA]  }
0x30: {  	s3 =	sld [smem:$0x3FAD]  }
0x31: {  	[smem:$0x3FB6] =	sst s10  }
0x32: {  	s10 =	sld [smem:$0x3FB4];
	_ =	sdelay $0x3  }
0x33: {  	p0 =	seq.s32 s10, $0x1;
	s10 =	sld [smem:$0x3FB6];
	_ =	sdelay $0x3  }
0x34: {  	[smem:$0x3FB6] =	sst s10  }
0x35: {  	s10 =	sld [smem:$0x3FB5];
	_ =	sdelay $0x3  }
0x36: {  	p1 =	seq.s32 s10, $0x1;
	s10 =	sld [smem:$0x3FB6];
	_ =	sdelay $0x3  }
0x37: {  	[smem:$0x3FB6] =	sst s10  }
0x38: {  	s10 =	sld [smem:$0x3FB7]  }
0x39: {  	_ = 	snop;
	(pc) =	sbr.ind lr, $3  }
0x3a: {  	_ = 	snop  }
0x3b: {  	_ = 	snop  }
0x3c: {  	p2 =	seq.s32 s10, $0x1;
	s10 =	sld [smem:$0x3FB6]  }
0x3d: {  	_ =	shalt  }
0x3e: {  	_ =	shalt  }
0x3f: {  	_ =	shalt  }
0x40: {  	_ =	shalt  }
0x41: {  	_ =	shalt  }
0x42: {  	_ =	shalt  }
0x43: {  	_ =	shalt  }
0x44: {  	_ =	shalt  }
0x45: {  	_ =	shalt  }
0x46: {  	_ =	shalt  }
0x47: {  	_ =	shalt  }
0x48: {  	_ =	shalt  }
0x49: {  	_ =	shalt  }
0x4a: {  	_ =	shalt  }
0x4b: {  	_ =	shalt  }
0x4c: {  	_ =	shalt  }
0x4d: {  	_ =	shalt  }
0x4e: {  	_ =	shalt  }
0x4f: {  	_ =	shalt  }
0x50: {  	_ =	shalt  }
0x51: {  	_ =	shalt  }
0x52: {  	_ =	shalt  }
0x53: {  	_ =	shalt  }
0x54: {  	_ =	shalt  }
0x55: {  	_ =	shalt  }
0x56: {  	_ =	shalt  }
0x57: {  	_ =	shalt  }
0x58: {  	_ =	shalt  }
0x59: {  	_ =	shalt  }
0x5a: {  	_ =	shalt  }
0x5b: {  	_ =	shalt  }
0x5c: {  	_ =	shalt  }
0x5d: {  	_ =	shalt  }
0x5e: {  	_ =	shalt  }
0x5f: {  	_ =	shalt  }
0x60: {  	_ =	shalt  }
0x61: {  	_ =	shalt  }
0x62: {  	_ =	shalt  }
0x63: {  	_ =	shalt  }
0x64: {  	_ =	shalt  }
0x65: {  	_ =	shalt  }
0x66: {  	_ =	shalt  }
0x67: {  	_ =	shalt  }
0x68: {  	_ =	shalt  }
0x69: {  	_ =	shalt  }
0x6a: {  	_ =	shalt  }
0x6b: {  	_ =	shalt  }
0x6c: {  	_ =	shalt  }
0x6d: {  	_ =	shalt  }
0x6e: {  	_ =	shalt  }
0x6f: {  	_ =	shalt  }
0x70: {  	_ =	shalt  }
0x71: {  	_ =	shalt  }
0x72: {  	_ =	shalt  }
0x73: {  	_ =	shalt  }
0x74: {  	_ =	shalt  }
0x75: {  	_ =	shalt  }
0x76: {  	_ =	shalt  }
0x77: {  	_ =	shalt  }
0x78: {  	_ =	shalt  }
0x79: {  	_ =	shalt  }
0x7a: {  	_ =	shalt  }
0x7b: {  	_ =	shalt  }
0x7c: {  	_ =	shalt  }
0x7d: {  	_ =	shalt  }
0x7e: {  	_ =	shalt  }
0x7f: {  	_ =	shalt  }
0x80: {  	_ =	shalt  }
0x81: {  	_ =	shalt  }
0x82: {  	_ =	shalt  }
0x83: {  	_ =	shalt  }
0x84: {  	_ =	shalt  }
0x85: {  	_ =	shalt  }
0x86: {  	_ =	shalt  }
0x87: {  	_ =	shalt  }
.Lfunc_end0:
.L_simem_size_0:
called_computation_lowered:
.L_overlay_start_0:
0x88: {  	s2 =	sld [smem:$0x3FD9]  }
0x89: {  	s3 =	sld [smem:$0x3FFE];
	_ =	sdelay $0x1  }
0x8a: {  	s1 =	srdreg.scid  }
0x8b: {  	s0 =	sand.u32 $0x1, s1  }
0x8c: {  	s16 =	sshll.u32 s0, $0xA;
	s2 =	sadd.s32 s3, s2  }
0x8d: {  	s2 =	sadd.s32 s2, s16  }
0x8e: {  	[smem:$0x3FC2] =	sst s2  }
0x8f: {  	_ = 	snop  }
0x90: {  	(tm) =	ssettm $0x1  }
0x91: {  	s17 =	sld [smem:$0x3FFB];
	_ =	sdelay $0x3  }
0x92: {  	_ =	strace s17  }
0x93: {  	s2 =	sld [smem:$0x3FFC];
	_ =	sdelay $0x3  }
0x94: {  	_ =	strace s2  }
0x95: {  	s2 =	sld [smem:$0x3FFD];
	_ =	sdelay $0x3  }
0x96: {  	_ =	strace s2  }
0x97: {  	_ =	strace $0x8FFFFFFF  }
0x98: {  	s18 =	sld [smem:$0x3FDB];
	_ =	sdelay $0x1  }
0x99: {  	s19 =	simm.s32 $_scs_section_size  }
0x9a: {  	s4 =	simm.s32 $_size__tile_overlayer_lowered;
	s5 =	simm.s32 $_tile_overlayer_lowered  }
0x9b: {  	s22 =	simm.s32 $0x1BFF;
	s21 =	sshll.u32 s5, $0x1;
	s2 =	sadd.s32 s19, s18  }
0x9c: {  	s6 =	simm.s32 $0x0;
	s20 =	sshll.u32 s4, $0x1;
	s4 =	sadd.s32 s21, s2  }
0x9d: {  	[timem:s6], [sflag:s22] =	dma.local [hbm:s4], s20  }
0x9e: {  	_ =	swait.ge [sflag:s22], s20  }
0x9f: {  	s3 =	ssub.s32 $0x0, s20;
	[sflag:s22] =	ssyncset.done $0x0  }
0xa0: {  	[sflag:s22] =	ssyncadd.s32 s3;
	_ =	sdelay $0x1  }
0xa1: {  	s23 =	simm.s32 $0x1B8B  }
0xa2: {  	_ =	swait.ge [sflag:s23], $0x1  }
0xa3: {  	[sflag:s23] =	ssyncset.done $0x0  }
0xa4: {  	s25 =	simm.s32 $0x1B8E;
	s24 =	sld [smem:$0x3FFE];
	[sflag:s23] =	ssyncadd.s32 $0xFFFFFFFF  }
0xa5: {  	s26 =	simm.s32 $execute0_lowered;
	[smem:$0x3FD2] =	sst s25  }
0xa6: {  	s4 =	sshll.u32 s26, $0x1;
	_ =	strace $0x80000046;
	[dreg:$0x1] =	wrdreg $0xFFFFFFFF  }
0xa7: {  	s28 =	simm.s32 $_size_execute0_lowered;
	s2 =	sadd.s32 s2, s4;
	[dreg:$0x0] =	wrdreg $0x0  }
0xa8: {  	s4 =	sshll.u32 s28, $0x1;
	[dreg:$0x2] =	wrdreg s2  }
0xa9: {  	[dreg:$0x3] =	wrdreg s4  }
0xaa: {  	[dreg:$0x4] =	wrdreg $0xC0  }
0xab: {  	_ =	task [dreg:s6], $0x5FFFF  }
0xac: {  	[dreg:$0x1] =	wrdreg $0xFFFFFFFF  }
0xad: {  	[dreg:$0x0] =	wrdreg $0x60  }
0xae: {  	[dreg:$0x2] =	wrdreg s24  }
0xaf: {  	[dreg:$0x3] =	wrdreg $0x15B800  }
0xb0: {  	[dreg:$0x4] =	wrdreg $0x9  }
0xb1: {  	_ =	task.clear_ibuf [dreg:s6], $0x5FFFF;
	_ =	strace $0x90000046  }
0xb2: {  	s29 =	simm.s32 $0x9;
	_ =	strace $0x80000048  }
0xb3: {  	_ =	swait.ge [sflag:s29], $0x1  }
0xb4: {  	[sflag:s29] =	ssyncadd.s32 $0xFFFFFFFF  }
0xb5: {  	_ =	strace $0x90000048  }
0xb6: {  	_ =	sfence  }
0xb7: {  	s30 =	sld [smem:$0x0];
	_ =	sdelay $0x2  }
0xb8: {  	s31 =	sshll.u32 s1, $0xD;
	s1 =	sshrl.u32 s1, $0x2  }
0xb9: {  	s3 =	sand.u32 $0x4000, s31;
	s1 =	sadd.s32 s1, s30  }
0xba: {  	s0 =	sor.u32 s3, s0;
	s1 =	sshll.u32 s1, $0x11  }
0xbb: {  	s0 =	sor.u32 s1, s0  }
0xbc: {  	s0 =	sadd.s32 $0x8F2B, s0  }
0xbd: {  	[sflag:s0] =	ssyncadd.remote.s32 $0x1  }
0xbe: {  	_ =	sfence.sel $0xFFFF  }
0xbf: {  	[dreg:$0x0] =	wrdreg $0xFFFFFFFF;
	(pc) =	sbr.abs _section_cstart, $3  }
0xc0: {  	[dreg:$0x1] =	wrdreg $0xFFFFFFFF  }
0xc1: {  	_ =	task.clear_ibuf [dreg:s6], $0x2FFFF;
	_ =	strace $0x9FFFFFFF  }
0xc2: {  	(tm) =	ssettm $0x7FFFFFFF  }
0xc3: {  	_ =	shalt  }
tec
execute0_lowered:
.L_overlay_start_1:
0x0: {  	(tag) =	ssettag $0x1  }
0x1: {  	s0 =	rddreg [dreg:$0x0]  }
0x2: {  	s2 =	rddreg [dreg:$0x1]  }
0x3: {  	s10 =	stileid.u32;
	s1 =	srdreg.scid  }
0x4: {  	s4 =	simm.s32 $0x0;
	s16 =	simm.s32 $0x13C40;
	s17 =	simm.s32 $0xB  }
0x5: {  	s18 =	simm.s32 $0x1;
	s19 =	simm.s32 $0x2;
	s20 =	simm.s32 $0x7D  }
0x6: {  	s29 =	simm.s32 $0xFDC0;
	s31 =	simm.s32 $0x11D00;
	s15 =	simm.s32 $0x4  }
0x7: {  	s28 =	simm.s32 $0x7;
	s30 =	simm.s32 $0x8;
	s3 =	smul.u32 $0x5000, s10  }
0x8: {  	s1 =	sand.u32 $0x1, s1;
	[smem:$0x7FF] =	sst s4;
	s7 =	smul.u32 $0x9C40, s10  }
0x9: {  	s4 =	sadd.s32 $0x14E00, s0;
	s5 =	sadd.s32 $0x1400, s0;
	s10 =	smul.u32 $0x27100, s10  }
0xa: {  	s6 =	smul.u32 $0x9C400, s1;
	_ =	strace $0x80000047;
	s8 =	ssub.s32 $0x2, s1  }
0xb: {  	p0 =	seq.s32 s1, $0x1;
	s1 =	simm.s32 $0x9;
	s3 =	sshrl.u32 s3, $0x3  }
0xc: {  	s9 =	sshrl.u32 s8, $0x1;
	s23 =	sshrl.u32 s10, $0x2;
	s24 =	sadd.s32 s7, s2  }
0xd: {  	s3 =	sadd.s32 s3, s0;
	s6 =	sadd.s32 s7, s6;
	s21 =	ssub.s32 s8, s9  }
0xe: {  	s9 =	sadd.s32 s23, s2;
	s23 =	simm.s32 $0xBF40;
	s7 =	simm.s32 $0x0  }
0xf: {  	s6 =	sshrl.u32 s6, $0x3;
	s22 =	sadd.s32 $0x28800, s3;
	s3 =	sadd.s32 $0x32800, s3  }
0x10: {  	s25 =	smax.u32 s21, $0x1;
	s26 =	sadd.s32 $0x1F40, s9;
	[dreg:$0x3] =	wrdreg s22  }
0x11: {  	s12 =	sadd.s32 $0x3E80, s9;
	s13 =	sadd.s32 $0x5DC0, s9;
	[dreg:$0x4] =	wrdreg s3  }
.Ltmp0:
0x12: {  	s14 =	sadd.s32 $0x7D00, s9;
	[dreg:$0x6] =	wrdreg s25;
	(pc) =	sbr.rel .LBB2_1-.Ltmp0, $4  }
0x13: {  	s21 =	simm.s32 $0xA000;
	s0 =	sadd.s32 s6, s0;
	[dreg:$0x7] =	wrdreg s26  }
0x14: {  	s25 =	sshrl.u32 s24, $0x3;
	s26 =	simm.s32 $0xDE80;
	s22 =	simm.s32 $0x5  }
0x15: {  	s24 =	simm.s32 $0x6;
	s3 =	simm.s32 $0xA;
	s0 =	sadd.s32 $0x3C800, s0  }
0x16: {  	v0 =	vimm.f32 $0.0e+00;
	s6 =	simm.s32 $0xC;
	[dreg:$0x5] =	wrdreg s0;
	s0 =	simm.s32 $0x3  }
.LBB2_6:
0x17: {  	[tilespmem:s31], [sflag:$0x5] =	stream.indirect.gather [hbm4b:s4+s20], $0x40, s10, s20, $0xb8;
	[tilespmem:$0x1F7C0] =	vst v63  }
.LBB2_10:
0x18: {  	_ =	swait.ge [sflag:s18], $0x1F40  }
0x19: {  	[sflag:s18] =	ssyncset.done $0x0  }
0x1a: {  	s8 =	simm.s32 $0x9D80;
	[sflag:s18] =	ssyncadd.s32 $0xFFFFE0C0  }
0x1b: {  	[spmem:s2] =	stream.indirect.scatter.add.f32 [tilespmem:s21], [sflag:$0x6], $0x40, s8, s20, $0xb8;
	[tilespmem:$0x1F7C0] =	vst v63  }
0x1c: {  	_ =	swait.ge [sflag:s19], $0x1F40  }
0x1d: {  	[sflag:s19] =	ssyncset.done $0x0  }
0x1e: {  	s10 =	simm.s32 $0x9E00;
	[sflag:s19] =	ssyncadd.s32 $0xFFFFE0C0  }
0x1f: {  	[spmem:s2] =	stream.indirect.scatter.add.f32 [tilespmem:s23], [sflag:$0x7], $0x40, s10, s20, $0xb8;
	[tilespmem:$0x1F7C0] =	vst v63  }
0x20: {  	_ =	swait.ge [sflag:s0], $0x1F40  }
0x21: {  	[sflag:s0] =	ssyncset.done $0x0  }
0x22: {  	s11 =	simm.s32 $0x9E80;
	[sflag:s0] =	ssyncadd.s32 $0xFFFFE0C0  }
0x23: {  	[spmem:s2] =	stream.indirect.scatter.add.f32 [tilespmem:s26], [sflag:$0x8], $0x40, s11, s20, $0xb8;
	[tilespmem:$0x1F7C0] =	vst v63  }
0x24: {  	_ =	swait.ge [sflag:s15], $0x1F40  }
0x25: {  	[sflag:s15] =	ssyncset.done $0x0  }
0x26: {  	s10 =	simm.s32 $0x9F00;
	[sflag:s15] =	ssyncadd.s32 $0xFFFFE0C0  }
0x27: {  	[spmem:s2] =	stream.indirect.scatter.add.f32 [tilespmem:s29], [sflag:$0x9], $0x40, s10, s20, $0xb8;
	[tilespmem:$0x1F7C0] =	vst v63  }
0x28: {  	_ =	swait.ge [sflag:s22], $0x1F40  }
0x29: {  	[sflag:s22] =	ssyncset.done $0x0  }
0x2a: {  	s11 =	simm.s32 $0x9F80;
	[sflag:s22] =	ssyncadd.s32 $0xFFFFE0C0  }
0x2b: {  	[spmem:s2] =	stream.indirect.scatter.add.f32 [tilespmem:s31], [sflag:$0xA], $0x40, s11, s20, $0xb8;
	[tilespmem:$0x1F7C0] =	vst v63  }
0x2c: {  	_ =	swait.ge [sflag:s24], $0x1F40  }
0x2d: {  	[sflag:s24] =	ssyncset.done $0x0  }
0x2e: {  	[sflag:s24] =	ssyncadd.s32 $0xFFFFE0C0  }
0x2f: {  	_ =	swait.ge [sflag:s28], $0x1F40  }
0x30: {  	[sflag:s28] =	ssyncset.done $0x0  }
0x31: {  	[sflag:s28] =	ssyncadd.s32 $0xFFFFE0C0  }
0x32: {  	_ =	swait.ge [sflag:s30], $0x1F40  }
0x33: {  	[sflag:s30] =	ssyncset.done $0x0  }
0x34: {  	[sflag:s30] =	ssyncadd.s32 $0xFFFFE0C0  }
0x35: {  	_ =	swait.ge [sflag:s1], $0x1F40  }
0x36: {  	[sflag:s1] =	ssyncset.done $0x0  }
0x37: {  	[sflag:s1] =	ssyncadd.s32 $0xFFFFE0C0  }
0x38: {  	_ =	swait.ge [sflag:s3], $0x1F40  }
0x39: {  	[sflag:s3] =	ssyncset.done $0x0  }
0x3a: {  	s10 =	stileid.u32;
	[sflag:s3] =	ssyncadd.s32 $0xFFFFE0C0  }
0x3b: {  	s8 =	sshll.u32 s10, $0x6;
	[bflag:$0x0] =	sbarrier.arrive $0xFFFF  }
0x3c: {  	s8 =	sor.u32 $0x1C0C, s8;
	s10 =	rddreg [dreg:$0x5]  }
0x3d: {  	[hbm:s10], [sflag:s8] =	dma.local [spmem:s25], $0x1388  }
0x3e: {  	_ =	swait.ge [sflag:s6], $0x1388  }
0x3f: {  	s7 =	sadd.s32 $0x1, s7;
	s11 =	rddreg [dreg:$0x6]  }
0x40: {  	p1 =	sne.s32 s7, s11  }
.Ltmp1:
0x41: {  	_ = 	snop;
	(pc) =	sbr.rel @!p1 .LBB2_11-.Ltmp1, $3  }
0x42: {  	_ =	sdelay $0x1  }
0x43: {  	[sflag:s6] =	ssyncset.done $0x0  }
0x44: {  	[sflag:s6] =	ssyncadd.s32 $0xFFFFEC78  }
.LBB2_1:
0x45: {  	s8 =	simm.s32 $0x0;
	s10 =	rddreg [dreg:$0x3]  }
0x46: {  	[tilespmem:s8], [sflag:$0x1] =	stream.linear.gather [hbm4b:s10+s8], $0x5000, $0x38;
	[tilespmem:$0x1F7C0] =	vst v63  }
0x47: {  	s11 =	simm.s32 $0x5000;
	s10 =	rddreg [dreg:$0x4]  }
0x48: {  	[tilespmem:s11], [sflag:$0x2] =	stream.linear.gather [hbm4b:s10+s8], $0x5000, $0x38;
	[tilespmem:$0x1F7C0] =	vst v63  }
0x49: {  	s10 =	simm.s32 $0x100;
	s8 =	simm.s32 $0x0  }
.LBB2_2:
0x4a: {  	p1 =	sne.s32 s10, $0x7C00;
	[tilespmem:s8+$0x13C70] =	vst v0;
	s11 =	smov.u32 s10;
	s10 =	sadd.s32 $0x100, s10  }
.Ltmp2:
0x4b: {  	[tilespmem:s8+$0x13C60] =	vst v0;
	(pc) =	sbr.rel @p1 .LBB2_2-.Ltmp2, $3  }
0x4c: {  	[tilespmem:s8+$0x13C40] =	vst v0  }
0x4d: {  	[tilespmem:s8+$0x13C50] =	vst v0;
	_ =	sdelay $0x1  }
0x4e: {  	s8 =	sshra.s32 s11, $0x2  }
0x4f: {  	[tilespmem:s8+$0x13C70] =	vst v0  }
0x50: {  	[tilespmem:s8+$0x13C60] =	vst v0  }
0x51: {  	[tilespmem:s8+$0x13C40] =	vst v0  }
0x52: {  	[tilespmem:s8+$0x13C50] =	vst v0  }
0x53: {  	[spmem:s9] =	stream.linear.scatter [tilespmem:s16], [sflag:$0xB], $0x1F40, $0x38;
	[tilespmem:$0x1F7C0] =	vst v63  }
0x54: {  	s11 =	rddreg [dreg:$0x7]  }
0x55: {  	[spmem:s11] =	stream.linear.scatter [tilespmem:s16], [sflag:$0xB], $0x1F40, $0x38;
	[tilespmem:$0x1F7C0] =	vst v63  }
0x56: {  	_ = 	snop  }
0x57: {  	[spmem:s12] =	stream.linear.scatter [tilespmem:s16], [sflag:$0xB], $0x1F40, $0x38;
	[tilespmem:$0x1F7C0] =	vst v63  }
0x58: {  	_ = 	snop  }
0x59: {  	[spmem:s13] =	stream.linear.scatter [tilespmem:s16], [sflag:$0xB], $0x1F40, $0x38;
	[tilespmem:$0x1F7C0] =	vst v63  }
0x5a: {  	_ = 	snop  }
0x5b: {  	[spmem:s14] =	stream.linear.scatter [tilespmem:s16], [sflag:$0xB], $0x1F40, $0x38;
	[tilespmem:$0x1F7C0] =	vst v63  }
0x5c: {  	_ =	swait.ge [sflag:s17], $0x1F40  }
0x5d: {  	[sflag:s17] =	ssyncset.done $0x0  }
0x5e: {  	[sflag:s17] =	ssyncadd.s32 $0xFFFFE0C0  }
0x5f: {  	_ =	swait.ge [sflag:s17], $0x1F40  }
0x60: {  	[sflag:s17] =	ssyncset.done $0x0  }
0x61: {  	[sflag:s17] =	ssyncadd.s32 $0xFFFFE0C0  }
0x62: {  	_ =	swait.ge [sflag:s17], $0x1F40  }
0x63: {  	[sflag:s17] =	ssyncset.done $0x0  }
0x64: {  	[sflag:s17] =	ssyncadd.s32 $0xFFFFE0C0  }
0x65: {  	_ =	swait.ge [sflag:s17], $0x1F40  }
0x66: {  	[sflag:s17] =	ssyncset.done $0x0  }
0x67: {  	[sflag:s17] =	ssyncadd.s32 $0xFFFFE0C0  }
0x68: {  	_ =	swait.ge [sflag:s17], $0x1F40  }
0x69: {  	[sflag:s17] =	ssyncset.done $0x0  }
0x6a: {  	[sflag:s17] =	ssyncadd.s32 $0xFFFFE0C0  }
0x6b: {  	_ =	swait.ge [sflag:s18], $0x5000  }
0x6c: {  	[sflag:s18] =	ssyncset.done $0x0  }
0x6d: {  	[sflag:s18] =	ssyncadd.s32 $0xFFFFB000  }
.Ltmp3:
0x6e: {  	_ =	swait.ge [sflag:s19], $0x5000;
	(pc) =	sbr.rel @!p0 .LBB2_4-.Ltmp3, $4  }
0x6f: {  	[sflag:s19] =	ssyncset.done $0x0  }
0x70: {  	[sflag:s19] =	ssyncadd.s32 $0xFFFFB000  }
0x71: {  	[bflag:$0x0] =	sbarrier.arrive $0xFFFF  }
0x72: {  	s8 =	simm.s32 $0x0  }
0x73: {  	[tilespmem:s21], [sflag:$0x1] =	stream.indirect.gather [hbm4b:s5+s20], $0x40, s8, s20, $0xb8;
	[tilespmem:$0x1F7C0] =	vst v63  }
0x74: {  	s11 =	simm.s32 $0x80  }
0x75: {  	[tilespmem:s23], [sflag:$0x2] =	stream.indirect.gather [hbm4b:s5+s20], $0x40, s11, s20, $0xb8;
	[tilespmem:$0x1F7C0] =	vst v63  }
0x76: {  	s10 =	simm.s32 $0x100  }
0x77: {  	[tilespmem:s26], [sflag:$0x3] =	stream.indirect.gather [hbm4b:s5+s20], $0x40, s10, s20, $0xb8;
	[tilespmem:$0x1F7C0] =	vst v63  }
0x78: {  	s11 =	simm.s32 $0x180  }
0x79: {  	[tilespmem:s29], [sflag:$0x4] =	stream.indirect.gather [hbm4b:s5+s20], $0x40, s11, s20, $0xb8;
	[tilespmem:$0x1F7C0] =	vst v63  }
0x7a: {  	s10 =	simm.s32 $0x200  }
0x7b: {  	[tilespmem:s31], [sflag:$0x5] =	stream.indirect.gather [hbm4b:s5+s20], $0x40, s10, s20, $0xb8;
	[tilespmem:$0x1F7C0] =	vst v63  }
0x7c: {  	_ =	swait.ge [sflag:s18], $0x1F40  }
0x7d: {  	[sflag:s18] =	ssyncset.done $0x0  }
0x7e: {  	s11 =	simm.s32 $0x5000;
	[sflag:s18] =	ssyncadd.s32 $0xFFFFE0C0  }
0x7f: {  	[spmem:s2] =	stream.indirect.scatter.add.f32 [tilespmem:s21], [sflag:$0x6], $0x40, s11, s20, $0xb8;
	[tilespmem:$0x1F7C0] =	vst v63  }
0x80: {  	_ =	swait.ge [sflag:s19], $0x1F40  }
0x81: {  	[sflag:s19] =	ssyncset.done $0x0  }
0x82: {  	s10 =	simm.s32 $0x5080;
	[sflag:s19] =	ssyncadd.s32 $0xFFFFE0C0  }
0x83: {  	[spmem:s2] =	stream.indirect.scatter.add.f32 [tilespmem:s23], [sflag:$0x7], $0x40, s10, s20, $0xb8;
	[tilespmem:$0x1F7C0] =	vst v63  }
0x84: {  	_ =	swait.ge [sflag:s0], $0x1F40  }
0x85: {  	[sflag:s0] =	ssyncset.done $0x0  }
0x86: {  	s11 =	simm.s32 $0x5100;
	[sflag:s0] =	ssyncadd.s32 $0xFFFFE0C0  }
0x87: {  	[spmem:s2] =	stream.indirect.scatter.add.f32 [tilespmem:s26], [sflag:$0x8], $0x40, s11, s20, $0xb8;
	[tilespmem:$0x1F7C0] =	vst v63  }
0x88: {  	_ =	swait.ge [sflag:s15], $0x1F40  }
0x89: {  	[sflag:s15] =	ssyncset.done $0x0  }
0x8a: {  	s10 =	simm.s32 $0x5180;
	[sflag:s15] =	ssyncadd.s32 $0xFFFFE0C0  }
0x8b: {  	[spmem:s2] =	stream.indirect.scatter.add.f32 [tilespmem:s29], [sflag:$0x9], $0x40, s10, s20, $0xb8;
	[tilespmem:$0x1F7C0] =	vst v63  }
0x8c: {  	_ =	swait.ge [sflag:s22], $0x1F40  }
0x8d: {  	[sflag:s22] =	ssyncset.done $0x0  }
0x8e: {  	s11 =	simm.s32 $0x5200;
	[sflag:s22] =	ssyncadd.s32 $0xFFFFE0C0  }
0x8f: {  	[spmem:s2] =	stream.indirect.scatter.add.f32 [tilespmem:s31], [sflag:$0xA], $0x40, s11, s20, $0xb8;
	[tilespmem:$0x1F7C0] =	vst v63  }
0x90: {  	_ =	swait.ge [sflag:s24], $0x1F40  }
0x91: {  	[sflag:s24] =	ssyncset.done $0x0  }
0x92: {  	s10 =	simm.s32 $0x280;
	[sflag:s24] =	ssyncadd.s32 $0xFFFFE0C0  }
0x93: {  	[tilespmem:s21], [sflag:$0x1] =	stream.indirect.gather [hbm4b:s5+s20], $0x40, s10, s20, $0xb8;
	[tilespmem:$0x1F7C0] =	vst v63  }
0x94: {  	_ =	swait.ge [sflag:s28], $0x1F40  }
0x95: {  	[sflag:s28] =	ssyncset.done $0x0  }
0x96: {  	s11 =	simm.s32 $0x300;
	[sflag:s28] =	ssyncadd.s32 $0xFFFFE0C0  }
0x97: {  	[tilespmem:s23], [sflag:$0x2] =	stream.indirect.gather [hbm4b:s5+s20], $0x40, s11, s20, $0xb8;
	[tilespmem:$0x1F7C0] =	vst v63  }
0x98: {  	_ =	swait.ge [sflag:s30], $0x1F40  }
0x99: {  	[sflag:s30] =	ssyncset.done $0x0  }
0x9a: {  	s10 =	simm.s32 $0x380;
	[sflag:s30] =	ssyncadd.s32 $0xFFFFE0C0  }
0x9b: {  	[tilespmem:s26], [sflag:$0x3] =	stream.indirect.gather [hbm4b:s5+s20], $0x40, s10, s20, $0xb8;
	[tilespmem:$0x1F7C0] =	vst v63  }
0x9c: {  	_ =	swait.ge [sflag:s1], $0x1F40  }
0x9d: {  	[sflag:s1] =	ssyncset.done $0x0  }
0x9e: {  	s11 =	simm.s32 $0x400;
	[sflag:s1] =	ssyncadd.s32 $0xFFFFE0C0  }
0x9f: {  	[tilespmem:s29], [sflag:$0x4] =	stream.indirect.gather [hbm4b:s5+s20], $0x40, s11, s20, $0xb8;
	[tilespmem:$0x1F7C0] =	vst v63  }
0xa0: {  	_ =	swait.ge [sflag:s3], $0x1F40  }
0xa1: {  	[sflag:s3] =	ssyncset.done $0x0  }
0xa2: {  	s8 =	simm.s32 $0xA00;
	s10 =	simm.s32 $0x480;
	[sflag:s3] =	ssyncadd.s32 $0xFFFFE0C0  }
.LBB2_8:
0xa3: {  	[tilespmem:s31], [sflag:$0x5] =	stream.indirect.gather [hbm4b:s5+s20], $0x40, s10, s20, $0xb8;
	[tilespmem:$0x1F7C0] =	vst v63  }
0xa4: {  	s10 =	smov.u32 s8  }
0xa5: {  	p1 =	sne.s32 s8, $0x12C00;
	s8 =	sadd.s32 $0xA00, s8;
	_ =	swait.ge [sflag:s18], $0x1F40  }
0xa6: {  	s10 =	sshra.s32 s10, $0x2;
	[sflag:s18] =	ssyncset.done $0x0  }
0xa7: {  	s11 =	sadd.s32 $0x5000, s10;
	[sflag:s18] =	ssyncadd.s32 $0xFFFFE0C0  }
0xa8: {  	[spmem:s2] =	stream.indirect.scatter.add.f32 [tilespmem:s21], [sflag:$0x6], $0x40, s11, s20, $0xb8;
	[tilespmem:$0x1F7C0] =	vst v63  }
0xa9: {  	_ =	swait.ge [sflag:s19], $0x1F40  }
0xaa: {  	[sflag:s19] =	ssyncset.done $0x0  }
0xab: {  	s11 =	sadd.s32 $0x5080, s10;
	[sflag:s19] =	ssyncadd.s32 $0xFFFFE0C0  }
0xac: {  	[spmem:s2] =	stream.indirect.scatter.add.f32 [tilespmem:s23], [sflag:$0x7], $0x40, s11, s20, $0xb8;
	[tilespmem:$0x1F7C0] =	vst v63  }
0xad: {  	_ =	swait.ge [sflag:s0], $0x1F40  }
0xae: {  	[sflag:s0] =	ssyncset.done $0x0  }
0xaf: {  	s11 =	sadd.s32 $0x5100, s10;
	[sflag:s0] =	ssyncadd.s32 $0xFFFFE0C0  }
0xb0: {  	[spmem:s2] =	stream.indirect.scatter.add.f32 [tilespmem:s26], [sflag:$0x8], $0x40, s11, s20, $0xb8;
	[tilespmem:$0x1F7C0] =	vst v63  }
0xb1: {  	_ =	swait.ge [sflag:s15], $0x1F40  }
0xb2: {  	[sflag:s15] =	ssyncset.done $0x0  }
0xb3: {  	s11 =	sadd.s32 $0x5180, s10;
	[sflag:s15] =	ssyncadd.s32 $0xFFFFE0C0  }
0xb4: {  	[spmem:s2] =	stream.indirect.scatter.add.f32 [tilespmem:s29], [sflag:$0x9], $0x40, s11, s20, $0xb8;
	[tilespmem:$0x1F7C0] =	vst v63  }
0xb5: {  	_ =	swait.ge [sflag:s22], $0x1F40  }
0xb6: {  	[sflag:s22] =	ssyncset.done $0x0  }
0xb7: {  	s11 =	sadd.s32 $0x5200, s10;
	[sflag:s22] =	ssyncadd.s32 $0xFFFFE0C0  }
0xb8: {  	[spmem:s2] =	stream.indirect.scatter.add.f32 [tilespmem:s31], [sflag:$0xA], $0x40, s11, s20, $0xb8;
	[tilespmem:$0x1F7C0] =	vst v63  }
0xb9: {  	_ =	swait.ge [sflag:s24], $0x1F40  }
0xba: {  	[sflag:s24] =	ssyncset.done $0x0  }
0xbb: {  	s11 =	sadd.s32 $0x280, s10;
	[sflag:s24] =	ssyncadd.s32 $0xFFFFE0C0  }
0xbc: {  	[tilespmem:s21], [sflag:$0x1] =	stream.indirect.gather [hbm4b:s5+s20], $0x40, s11, s20, $0xb8;
	[tilespmem:$0x1F7C0] =	vst v63  }
0xbd: {  	_ =	swait.ge [sflag:s28], $0x1F40  }
0xbe: {  	[sflag:s28] =	ssyncset.done $0x0  }
0xbf: {  	s11 =	sadd.s32 $0x300, s10;
	[sflag:s28] =	ssyncadd.s32 $0xFFFFE0C0  }
0xc0: {  	[tilespmem:s23], [sflag:$0x2] =	stream.indirect.gather [hbm4b:s5+s20], $0x40, s11, s20, $0xb8;
	[tilespmem:$0x1F7C0] =	vst v63  }
0xc1: {  	_ =	swait.ge [sflag:s30], $0x1F40  }
0xc2: {  	[sflag:s30] =	ssyncset.done $0x0  }
0xc3: {  	s11 =	sadd.s32 $0x380, s10;
	[sflag:s30] =	ssyncadd.s32 $0xFFFFE0C0  }
0xc4: {  	[tilespmem:s26], [sflag:$0x3] =	stream.indirect.gather [hbm4b:s5+s20], $0x40, s11, s20, $0xb8;
	[tilespmem:$0x1F7C0] =	vst v63  }
0xc5: {  	_ =	swait.ge [sflag:s1], $0x1F40  }
0xc6: {  	[sflag:s1] =	ssyncset.done $0x0  }
.Ltmp4:
0xc7: {  	s11 =	sadd.s32 $0x400, s10;
	[sflag:s1] =	ssyncadd.s32 $0xFFFFE0C0;
	(pc) =	sbr.rel @p1 .LBB2_8-.Ltmp4, $4  }
0xc8: {  	[tilespmem:s29], [sflag:$0x4] =	stream.indirect.gather [hbm4b:s5+s20], $0x40, s11, s20, $0xb8;
	[tilespmem:$0x1F7C0] =	vst v63  }
0xc9: {  	_ =	swait.ge [sflag:s3], $0x1F40  }
0xca: {  	[sflag:s3] =	ssyncset.done $0x0  }
0xcb: {  	s10 =	sadd.s32 $0x480, s10;
	[sflag:s3] =	ssyncadd.s32 $0xFFFFE0C0  }
.Ltmp5:
0xcc: {  	(pc) =	sbr.rel .LBB2_10-.Ltmp5, $2  }
0xcd: {  	_ =	sdelay $0x2  }
0xce: {  	[tilespmem:s31], [sflag:$0x5] =	stream.indirect.gather [hbm4b:s5+s20], $0x40, s10, s20, $0xb8;
	[tilespmem:$0x1F7C0] =	vst v63  }
.LBB2_4:
0xcf: {  	[tilespmem:s21], [sflag:$0x1] =	stream.indirect.gather [hbm4b:s4+s20], $0x40, s8, s20, $0xb8;
	[tilespmem:$0x1F7C0] =	vst v63  }
0xd0: {  	s11 =	simm.s32 $0x80  }
0xd1: {  	[tilespmem:s23], [sflag:$0x2] =	stream.indirect.gather [hbm4b:s4+s20], $0x40, s11, s20, $0xb8;
	[tilespmem:$0x1F7C0] =	vst v63  }
0xd2: {  	s10 =	simm.s32 $0x100  }
0xd3: {  	[tilespmem:s26], [sflag:$0x3] =	stream.indirect.gather [hbm4b:s4+s20], $0x40, s10, s20, $0xb8;
	[tilespmem:$0x1F7C0] =	vst v63  }
0xd4: {  	s11 =	simm.s32 $0x180  }
0xd5: {  	[tilespmem:s29], [sflag:$0x4] =	stream.indirect.gather [hbm4b:s4+s20], $0x40, s11, s20, $0xb8;
	[tilespmem:$0x1F7C0] =	vst v63  }
0xd6: {  	s10 =	simm.s32 $0x200  }
0xd7: {  	[tilespmem:s31], [sflag:$0x5] =	stream.indirect.gather [hbm4b:s4+s20], $0x40, s10, s20, $0xb8;
	[tilespmem:$0x1F7C0] =	vst v63  }
0xd8: {  	_ =	swait.ge [sflag:s18], $0x1F40  }
0xd9: {  	[sflag:s18] =	ssyncset.done $0x0  }
0xda: {  	s11 =	simm.s32 $0x5000;
	[sflag:s18] =	ssyncadd.s32 $0xFFFFE0C0  }
0xdb: {  	[spmem:s2] =	stream.indirect.scatter.add.f32 [tilespmem:s21], [sflag:$0x6], $0x40, s11, s20, $0xb8;
	[tilespmem:$0x1F7C0] =	vst v63  }
0xdc: {  	_ =	swait.ge [sflag:s19], $0x1F40  }
0xdd: {  	[sflag:s19] =	ssyncset.done $0x0  }
0xde: {  	s10 =	simm.s32 $0x5080;
	[sflag:s19] =	ssyncadd.s32 $0xFFFFE0C0  }
0xdf: {  	[spmem:s2] =	stream.indirect.scatter.add.f32 [tilespmem:s23], [sflag:$0x7], $0x40, s10, s20, $0xb8;
	[tilespmem:$0x1F7C0] =	vst v63  }
0xe0: {  	_ =	swait.ge [sflag:s0], $0x1F40  }
0xe1: {  	[sflag:s0] =	ssyncset.done $0x0  }
0xe2: {  	s11 =	simm.s32 $0x5100;
	[sflag:s0] =	ssyncadd.s32 $0xFFFFE0C0  }
0xe3: {  	[spmem:s2] =	stream.indirect.scatter.add.f32 [tilespmem:s26], [sflag:$0x8], $0x40, s11, s20, $0xb8;
	[tilespmem:$0x1F7C0] =	vst v63  }
0xe4: {  	_ =	swait.ge [sflag:s15], $0x1F40  }
0xe5: {  	[sflag:s15] =	ssyncset.done $0x0  }
0xe6: {  	s10 =	simm.s32 $0x5180;
	[sflag:s15] =	ssyncadd.s32 $0xFFFFE0C0  }
0xe7: {  	[spmem:s2] =	stream.indirect.scatter.add.f32 [tilespmem:s29], [sflag:$0x9], $0x40, s10, s20, $0xb8;
	[tilespmem:$0x1F7C0] =	vst v63  }
0xe8: {  	_ =	swait.ge [sflag:s22], $0x1F40  }
0xe9: {  	[sflag:s22] =	ssyncset.done $0x0  }
0xea: {  	s11 =	simm.s32 $0x5200;
	[sflag:s22] =	ssyncadd.s32 $0xFFFFE0C0  }
0xeb: {  	[spmem:s2] =	stream.indirect.scatter.add.f32 [tilespmem:s31], [sflag:$0xA], $0x40, s11, s20, $0xb8;
	[tilespmem:$0x1F7C0] =	vst v63  }
0xec: {  	_ =	swait.ge [sflag:s24], $0x1F40  }
0xed: {  	[sflag:s24] =	ssyncset.done $0x0  }
0xee: {  	s10 =	simm.s32 $0x280;
	[sflag:s24] =	ssyncadd.s32 $0xFFFFE0C0  }
0xef: {  	[tilespmem:s21], [sflag:$0x1] =	stream.indirect.gather [hbm4b:s4+s20], $0x40, s10, s20, $0xb8;
	[tilespmem:$0x1F7C0] =	vst v63  }
0xf0: {  	_ =	swait.ge [sflag:s28], $0x1F40  }
0xf1: {  	[sflag:s28] =	ssyncset.done $0x0  }
0xf2: {  	s11 =	simm.s32 $0x300;
	[sflag:s28] =	ssyncadd.s32 $0xFFFFE0C0  }
0xf3: {  	[tilespmem:s23], [sflag:$0x2] =	stream.indirect.gather [hbm4b:s4+s20], $0x40, s11, s20, $0xb8;
	[tilespmem:$0x1F7C0] =	vst v63  }
0xf4: {  	_ =	swait.ge [sflag:s30], $0x1F40  }
0xf5: {  	[sflag:s30] =	ssyncset.done $0x0  }
0xf6: {  	s10 =	simm.s32 $0x380;
	[sflag:s30] =	ssyncadd.s32 $0xFFFFE0C0  }
0xf7: {  	[tilespmem:s26], [sflag:$0x3] =	stream.indirect.gather [hbm4b:s4+s20], $0x40, s10, s20, $0xb8;
	[tilespmem:$0x1F7C0] =	vst v63  }
0xf8: {  	_ =	swait.ge [sflag:s1], $0x1F40  }
0xf9: {  	[sflag:s1] =	ssyncset.done $0x0  }
0xfa: {  	s11 =	simm.s32 $0x400;
	[sflag:s1] =	ssyncadd.s32 $0xFFFFE0C0  }
0xfb: {  	[tilespmem:s29], [sflag:$0x4] =	stream.indirect.gather [hbm4b:s4+s20], $0x40, s11, s20, $0xb8;
	[tilespmem:$0x1F7C0] =	vst v63  }
0xfc: {  	_ =	swait.ge [sflag:s3], $0x1F40  }
0xfd: {  	[sflag:s3] =	ssyncset.done $0x0  }
0xfe: {  	s8 =	simm.s32 $0xA00;
	s10 =	simm.s32 $0x480;
	[sflag:s3] =	ssyncadd.s32 $0xFFFFE0C0  }
.LBB2_5:
0xff: {  	[tilespmem:s31], [sflag:$0x5] =	stream.indirect.gather [hbm4b:s4+s20], $0x40, s10, s20, $0xb8;
	[tilespmem:$0x1F7C0] =	vst v63  }
0x100: {  	s10 =	smov.u32 s8  }
0x101: {  	p1 =	seq.s32 s8, $0x12C00;
	s8 =	sadd.s32 $0xA00, s8;
	_ =	swait.ge [sflag:s18], $0x1F40  }
0x102: {  	s10 =	sshra.s32 s10, $0x2;
	[sflag:s18] =	ssyncset.done $0x0  }
0x103: {  	s11 =	sadd.s32 $0x5000, s10;
	[sflag:s18] =	ssyncadd.s32 $0xFFFFE0C0  }
0x104: {  	[spmem:s2] =	stream.indirect.scatter.add.f32 [tilespmem:s21], [sflag:$0x6], $0x40, s11, s20, $0xb8;
	[tilespmem:$0x1F7C0] =	vst v63  }
0x105: {  	_ =	swait.ge [sflag:s19], $0x1F40  }
0x106: {  	[sflag:s19] =	ssyncset.done $0x0  }
0x107: {  	s11 =	sadd.s32 $0x5080, s10;
	[sflag:s19] =	ssyncadd.s32 $0xFFFFE0C0  }
0x108: {  	[spmem:s2] =	stream.indirect.scatter.add.f32 [tilespmem:s23], [sflag:$0x7], $0x40, s11, s20, $0xb8;
	[tilespmem:$0x1F7C0] =	vst v63  }
0x109: {  	_ =	swait.ge [sflag:s0], $0x1F40  }
0x10a: {  	[sflag:s0] =	ssyncset.done $0x0  }
0x10b: {  	s11 =	sadd.s32 $0x5100, s10;
	[sflag:s0] =	ssyncadd.s32 $0xFFFFE0C0  }
0x10c: {  	[spmem:s2] =	stream.indirect.scatter.add.f32 [tilespmem:s26], [sflag:$0x8], $0x40, s11, s20, $0xb8;
	[tilespmem:$0x1F7C0] =	vst v63  }
0x10d: {  	_ =	swait.ge [sflag:s15], $0x1F40  }
0x10e: {  	[sflag:s15] =	ssyncset.done $0x0  }
0x10f: {  	s11 =	sadd.s32 $0x5180, s10;
	[sflag:s15] =	ssyncadd.s32 $0xFFFFE0C0  }
0x110: {  	[spmem:s2] =	stream.indirect.scatter.add.f32 [tilespmem:s29], [sflag:$0x9], $0x40, s11, s20, $0xb8;
	[tilespmem:$0x1F7C0] =	vst v63  }
0x111: {  	_ =	swait.ge [sflag:s22], $0x1F40  }
0x112: {  	[sflag:s22] =	ssyncset.done $0x0  }
0x113: {  	s11 =	sadd.s32 $0x5200, s10;
	[sflag:s22] =	ssyncadd.s32 $0xFFFFE0C0  }
0x114: {  	[spmem:s2] =	stream.indirect.scatter.add.f32 [tilespmem:s31], [sflag:$0xA], $0x40, s11, s20, $0xb8;
	[tilespmem:$0x1F7C0] =	vst v63  }
0x115: {  	_ =	swait.ge [sflag:s24], $0x1F40  }
0x116: {  	[sflag:s24] =	ssyncset.done $0x0  }
0x117: {  	s11 =	sadd.s32 $0x280, s10;
	[sflag:s24] =	ssyncadd.s32 $0xFFFFE0C0  }
0x118: {  	[tilespmem:s21], [sflag:$0x1] =	stream.indirect.gather [hbm4b:s4+s20], $0x40, s11, s20, $0xb8;
	[tilespmem:$0x1F7C0] =	vst v63  }
0x119: {  	_ =	swait.ge [sflag:s28], $0x1F40  }
0x11a: {  	[sflag:s28] =	ssyncset.done $0x0  }
0x11b: {  	s11 =	sadd.s32 $0x300, s10;
	[sflag:s28] =	ssyncadd.s32 $0xFFFFE0C0  }
0x11c: {  	[tilespmem:s23], [sflag:$0x2] =	stream.indirect.gather [hbm4b:s4+s20], $0x40, s11, s20, $0xb8;
	[tilespmem:$0x1F7C0] =	vst v63  }
0x11d: {  	_ =	swait.ge [sflag:s30], $0x1F40  }
0x11e: {  	[sflag:s30] =	ssyncset.done $0x0  }
0x11f: {  	s11 =	sadd.s32 $0x380, s10;
	[sflag:s30] =	ssyncadd.s32 $0xFFFFE0C0  }
0x120: {  	[tilespmem:s26], [sflag:$0x3] =	stream.indirect.gather [hbm4b:s4+s20], $0x40, s11, s20, $0xb8;
	[tilespmem:$0x1F7C0] =	vst v63  }
0x121: {  	_ =	swait.ge [sflag:s1], $0x1F40  }
0x122: {  	[sflag:s1] =	ssyncset.done $0x0  }
.Ltmp6:
0x123: {  	s11 =	sadd.s32 $0x400, s10;
	[sflag:s1] =	ssyncadd.s32 $0xFFFFE0C0;
	(pc) =	sbr.rel @!p1 .LBB2_5-.Ltmp6, $4  }
0x124: {  	[tilespmem:s29], [sflag:$0x4] =	stream.indirect.gather [hbm4b:s4+s20], $0x40, s11, s20, $0xb8;
	[tilespmem:$0x1F7C0] =	vst v63  }
0x125: {  	_ =	swait.ge [sflag:s3], $0x1F40  }
0x126: {  	[sflag:s3] =	ssyncset.done $0x0  }
0x127: {  	s10 =	sadd.s32 $0x480, s10;
	[sflag:s3] =	ssyncadd.s32 $0xFFFFE0C0  }
.Ltmp7:
0x128: {  	_ = 	snop;
	(pc) =	sbr.rel .LBB2_6-.Ltmp7, $1  }
0x129: {  	_ =	sdelay $0x3  }
.LBB2_11:
0x12a: {  	_ =	sfence.sel $0x180000  }
0x12b: {  	[bflag:$0x0] =	sbarrier.arrive $0xFFFF  }
0x12c: {  	_ =	strace $0x90000047  }
0x12d: {  	s0 =	stileid.u32;
	[bflag:$0x2] =	sbarrier.arrive $0xFFFF  }
0x12e: {  	p0 =	sne.s32 s0, $0x0;
	s0 =	rddreg [dreg:$0x2]  }
0x12f: {  	s0 =	sadd.s32 @!p0 $0x100000, s0  }
0x130: {  	[sflag:s0] =	ssyncadd.tile.s32 @!p0 $0x1;
	_ =	shalt  }
.Lfunc_end2:
_tile_overlayer_lowered:
.L_overlay_start_2:
0x131: {  	(tag) =	ssettag $0x2  }
0x132: {  	s0 =	rddreg [dreg:$0x0];
	s2 =	stileid.u32  }
0x133: {  	s1 =	rddreg [dreg:$0x1];
	p0 =	sne.s32 s2, $0x0  }
0x134: {  	s3 =	rddreg [dreg:$0x2];
	[bflag:$0x3] =	sbarrier.arrive $0xFFFF;
	s2 =	simm.s32 @!p0 $0x1C0C  }
0x135: {  	[timem:s3], [sflag:s2] =	dma.local @!p0 [hbm:s0], s1  }
0x136: {  	s0 =	simm.s32 @!p0 $0xC  }
0x137: {  	_ =	swait.ge @!p0 [sflag:s0], s1  }
0x138: {  	s1 =	ssub.s32 @!p0 $0x0, s1;
	[sflag:s0] =	ssyncset.done @!p0 $0x0  }
0x139: {  	[sflag:s0] =	ssyncadd.s32 @!p0 s1  }
0x13a: {  	[bflag:$0x3] =	sbarrier.arrive $0xFFFF  }
0x13b: {  	_ =	shalt  }

</sc_bundles>
